<compile_context>
chip_gen: v7x
topology: tpu7x:2x2x1
jax: 0.10.2.dev20260603
libtpu: 0.0.44.dev20260713+nightly
codegen_flags: <defaults>
</compile_context>

<pallas_src>
import functools

import jax
import jax.numpy as jnp
from jax import lax
from jax.experimental import pallas as pl
from jax.experimental.pallas import tpu as pltpu
from jax.experimental.pallas import tpu_sc as plsc

D_MODEL = 2048
MAX_DELTAS = 4
PACK = 8
TOKENS = 2048
OUT = 3072
PCOLS = D_MODEL // PACK

B = 256
G = TOKENS // B + MAX_DELTAS - 1
OB = 1024
NOB = OUT // OB

NW = 32
ROWS_PER_W = TOKENS // NW
CH = 32
NCH = ROWS_PER_W // CH

_BF = jnp.bfloat16
_F32 = jnp.float32
_I32 = jnp.int32



def _route_body(idx_ref, pslot_ref, bd_ref):
    idx = idx_ref[...]
    li = lax.broadcasted_iota(_I32, (128, 128), 0)
    lj = lax.broadcasted_iota(_I32, (128, 128), 1)
    ltl = (li < lj).astype(_BF)
    si = lax.broadcasted_iota(_I32, (16, 16), 0)
    sj = lax.broadcasted_iota(_I32, (16, 16), 1)
    lts = (sj < si).astype(_BF)
    gi = lax.broadcasted_iota(_I32, (1, 16), 1)

    dn = (((1,), (0,)), ((), ()))
    bs = jnp.zeros((1, 1), _I32)
    pslot = jnp.zeros((16, 128), _I32)
    bd = jnp.full((1, 16), -1, _I32)
    for d in range(MAX_DELTAS):
        m = idx == d
        mb = m.astype(_BF)
        prefl = lax.dot_general(mb, ltl, dn, preferred_element_type=_F32)
        rowtot = jnp.sum(mb.astype(_F32), axis=1, keepdims=True)
        rowsbefore = lax.dot_general(lts, rowtot.astype(_BF), dn,
                                     preferred_element_type=_F32)
        rank = (prefl + rowsbefore).astype(_I32)
        cnt = jnp.sum(rowtot, axis=0, keepdims=True).astype(_I32)
        nblk = (cnt + (B - 1)) >> 8
        pslot = pslot + jnp.where(m, B * bs + rank, 0)
        bd = bd + (bs <= gi).astype(_I32)
        bs = bs + nblk
    pslot_ref[...] = pslot
    bd_ref[...] = bd


def _route(indices):
    idx16 = indices.reshape(16, 128)
    pslot16, bd16 = pl.pallas_call(
        _route_body,
        out_shape=(jax.ShapeDtypeStruct((16, 128), _I32),
                   jax.ShapeDtypeStruct((1, 16), _I32)),
    )(idx16)
    return pslot16.reshape(TOKENS), bd16.reshape(16)[:G]



_vector_mesh = plsc.VectorSubcoreMesh(core_axis_name="c", subcore_axis_name="s")


@functools.partial(
    pl.kernel, mesh=_vector_mesh,
    out_type=jax.ShapeDtypeStruct((G * B, D_MODEL), _F32),
    scratch_types=[pltpu.VMEM((CH,), _I32),
                   pltpu.VMEM((CH, D_MODEL), _F32),
                   pltpu.SemaphoreType.DMA],
)
def _sc_scatter(x_hbm, pslot_hbm, xs_hbm, idx_v, rows_v, sem):
    wid = lax.axis_index("c") * 16 + lax.axis_index("s")
    for k in range(NCH):
        base = wid * ROWS_PER_W + k * CH
        pltpu.sync_copy(pslot_hbm.at[pl.ds(base, CH)], idx_v)
        pltpu.sync_copy(x_hbm.at[pl.ds(base, CH)], rows_v)
        pltpu.async_copy(rows_v, xs_hbm.at[idx_v], sem).wait()


@functools.partial(
    pl.kernel, mesh=_vector_mesh,
    out_type=jax.ShapeDtypeStruct((TOKENS, OUT), _F32),
    scratch_types=[pltpu.VMEM((CH,), _I32),
                   pltpu.VMEM((CH, OUT), _F32),
                   pltpu.SemaphoreType.DMA],
)
def _sc_gather(ys_hbm, pslot_hbm, out_hbm, idx_v, rows_v, sem):
    wid = lax.axis_index("c") * 16 + lax.axis_index("s")
    for k in range(NCH):
        base = wid * ROWS_PER_W + k * CH
        pltpu.sync_copy(pslot_hbm.at[pl.ds(base, CH)], idx_v)
        pltpu.async_copy(ys_hbm.at[idx_v], rows_v, sem).wait()
        pltpu.sync_copy(rows_v, out_hbm.at[pl.ds(base, CH)])



def _main_body(bd_ref, xs_hbm, w_hbm, qw_ref, sc_ref, b_ref, o_ref,
               xsp_c, wp_c, comb_c, xbuf, wbuf, p_c, sem0, sem1):
    g = pl.program_id(0)
    ob = pl.program_id(1)
    dnn = (((1,), (0,)), ((), ()))

    @pl.when((g == 0) & (ob == 0))
    def _build_perm():
        for p in range(PACK):
            ii = lax.broadcasted_iota(_I32, (D_MODEL, PCOLS), 0)
            cc = lax.broadcasted_iota(_I32, (D_MODEL, PCOLS), 1)
            p_c[:, pl.ds(p * PCOLS, PCOLS)] = (ii == cc * PACK + p).astype(_BF)

    @pl.when(g == 0)
    def _load_w():
        cp = pltpu.make_async_copy(w_hbm.at[pl.ds(ob * OB, OB), :], wbuf, sem1)
        cp.start()
        cp.wait()
        wp_c[pl.ds(ob * OB, OB), :] = wbuf[...].astype(_BF)

    @pl.when(ob == 0)
    def _prep_rows():
        cp = pltpu.make_async_copy(xs_hbm.at[pl.ds(g * B, B), :], xbuf, sem0)
        cp.start()
        cp.wait()
        xsp_c[...] = xbuf[...].astype(_BF)

    prev = bd_ref[jnp.maximum(g - 1, 0)]
    cur = bd_ref[g]

    @pl.when((g == 0) | (cur != prev))
    def _dequant():
        comb_c[pl.ds(ob * OB, OB), pl.ds(0, PCOLS)] = (
            qw_ref[0][:, :PCOLS]).astype(_BF)

    xsp = xsp_c[...]
    comb = comb_c[pl.ds(ob * OB, OB), :].reshape(D_MODEL, OB)
    ymm = lax.dot_general(xsp, comb, dnn, preferred_element_type=_F32)
    o_ref[...] = ymm + b_ref[...]


def _main(bd, xs, w, qw, sc, b2):
    grid_spec = pltpu.PrefetchScalarGridSpec(
        num_scalar_prefetch=1,
        grid=(G, NOB),
        in_specs=[
            pl.BlockSpec(memory_space=pl.ANY),
            pl.BlockSpec(memory_space=pl.ANY),
            pl.BlockSpec((1, OB, PCOLS), lambda g, ob, bd: (bd[g], ob, 0)),
            pl.BlockSpec((1, OB, 1), lambda g, ob, bd: (bd[g], ob, 0)),
            pl.BlockSpec((1, OB), lambda g, ob, bd: (0, ob)),
        ],
        out_specs=pl.BlockSpec((B, OB), lambda g, ob, bd: (g, ob)),
        scratch_shapes=[
            pltpu.VMEM((B, D_MODEL), _BF),
            pltpu.VMEM((OUT, D_MODEL), _BF),
            pltpu.VMEM((OUT, D_MODEL), _BF),
            pltpu.VMEM((B, D_MODEL), _F32),
            pltpu.VMEM((OB, D_MODEL), _F32),
            pltpu.VMEM((D_MODEL, D_MODEL), _BF),
            pltpu.SemaphoreType.DMA,
            pltpu.SemaphoreType.DMA,
        ],
    )
    return pl.pallas_call(
        _main_body,
        grid_spec=grid_spec,
        out_shape=jax.ShapeDtypeStruct((G * B, OUT), _F32),
    )(bd, xs, w, qw, sc, b2)



def kernel(x, indices, W, b, qw_q, qw_k, qw_v, sc_q, sc_k, sc_v):
    qw = jnp.concatenate([qw_q, qw_k, qw_v], axis=1)
    sc = jnp.concatenate([sc_q, sc_k, sc_v], axis=1)
    b2 = b.reshape(1, OUT)

    pslot, bd = _route(indices)
    xs = _sc_scatter(x, pslot)
    ys = _main(bd, xs, W, qw, sc, b2)
    return _sc_gather(ys, pslot)

# --- scband reference (transcript-rebuilt; emitter-appended) ---
"""Pipeline reference for scband-merged-qkvparallel-linear-with-delta-28973849379101 (READ-ONLY COPY).

The authoritative reference and input builder live on the scoring server;
editing this copy changes nothing except your own understanding.
"""

import jax, jax.numpy as jnp
import numpy as np

D_MODEL = 2048
N_HEADS = 16
N_KV_HEADS = 4
HEAD = 128
MAX_DELTAS = 4
PACK = 8
TOKENS = 2048
Q_OUT = N_HEADS * HEAD          # 2048
KV_OUT = N_KV_HEADS * HEAD      # 512
OUT = Q_OUT + 2 * KV_OUT        # 3072


def _unpack(qw):
    # int32 [D, out, in//PACK] -> float32 [D, out, in], 4-bit nibbles, zero-point 8
    shifts = jnp.arange(PACK, dtype=jnp.int32) * 4
    nib = (qw[..., None] >> shifts[None, None, None, :]) & 0xF
    return nib.reshape(qw.shape[0], qw.shape[1], qw.shape[2] * PACK).astype(jnp.float32) - 8.0


def setup_inputs(seed: int = 0) -> dict:
    key = jax.random.key(seed)
    ks = jax.random.split(key, 10)
    x = jax.random.normal(ks[0], (TOKENS, D_MODEL), dtype=jnp.float32)
    indices = jax.random.randint(ks[1], (TOKENS,), 0, MAX_DELTAS, dtype=jnp.int32)
    W = jax.random.normal(ks[2], (OUT, D_MODEL), dtype=jnp.float32) * 0.02
    b = jnp.zeros((OUT,), dtype=jnp.float32)
    qw_q = jax.random.randint(ks[3], (MAX_DELTAS, Q_OUT, D_MODEL // PACK), 0, 2**30, dtype=jnp.int32)
    qw_k = jax.random.randint(ks[4], (MAX_DELTAS, KV_OUT, D_MODEL // PACK), 0, 2**30, dtype=jnp.int32)
    qw_v = jax.random.randint(ks[5], (MAX_DELTAS, KV_OUT, D_MODEL // PACK), 0, 2**30, dtype=jnp.int32)
    sc_q = jax.random.uniform(ks[6], (MAX_DELTAS, Q_OUT, 1), jnp.float32, 0.001, 0.01)
    sc_k = jax.random.uniform(ks[7], (MAX_DELTAS, KV_OUT, 1), jnp.float32, 0.001, 0.01)
    sc_v = jax.random.uniform(ks[8], (MAX_DELTAS, KV_OUT, 1), jnp.float32, 0.001, 0.01)
    return {"x": x, "indices": indices, "W": W, "b": b,
            "qw_q": qw_q, "qw_k": qw_k, "qw_v": qw_v,
            "sc_q": sc_q, "sc_k": sc_k, "sc_v": sc_v}


def reference(x, indices, W, b, qw_q, qw_k, qw_v, sc_q, sc_k, sc_v):
    # base QKV column-parallel linear
    base = x @ W.T + b
    # apply_delta: per-token delta index selects a dequantized low-rank-free delta weight
    deltas = []
    for qw, sc in ((qw_q, sc_q), (qw_k, sc_k), (qw_v, sc_v)):
        Wd = _unpack(qw) * sc  # [D, out_slice, in], dequant = scales * (q4 - zero)
        acc = jnp.zeros((x.shape[0], Wd.shape[1]), dtype=x.dtype)
        for d in range(MAX_DELTAS):
            mask = (indices == d).astype(x.dtype)[:, None]
            acc = acc + (x * mask) @ Wd[d].T
        deltas.append(acc)
    out = base + jnp.concatenate(deltas, axis=1)
    return out

if __name__ == "__main__":
    import jax
    _d = setup_inputs()
    print(jax.jit(kernel)(*tuple(_d.values())))

</pallas_src>

<mosaic_0001>
#map = affine_map<(d0, d1) -> (0, 0)>
#map1 = affine_map<(d0, d1) -> (0)>
module attributes {stable_mosaic.version = 14 : i64} {
  func.func @_sc_gather(%arg0: i32, %arg1: i32, %arg2: memref<2816x3072xf32, #tpu.memory_space<hbm>>, %arg3: memref<2048xi32, #tpu.memory_space<hbm>>, %arg4: memref<2048x3072xf32, #tpu.memory_space<hbm>>, %arg5: memref<32xi32, #tpu.memory_space<vmem>>, %arg6: memref<32x3072xf32, #tpu.memory_space<vmem>>, %arg7: memref<!tpu.dma_semaphore, #tpu.memory_space<semaphore_mem>>) attributes {dimension_semantics = [#tpu.dimension_semantics<core_parallel>, #tpu.dimension_semantics<subcore_parallel>], iteration_bounds = array<i64: 2, 16>, scalar_prefetch = 0 : i64, scratch_operands = 3 : i64, tpu.core_type = #tpu.core_type<sc_vector_subcore>, window_params = [{transform_indices = #map}, {transform_indices = #map1}, {transform_indices = #map}]} {
    %mul3A = arith.constant 16 : i32
    %mul3A_0 = arith.muli %arg0, %mul3A : i32
    %add3A = arith.addi %mul3A_0, %arg1 : i32
    %mul3A_1 = arith.constant 64 : i32
    %mul3A_2 = arith.muli %add3A, %mul3A_1 : i32
    %add3A_3 = arith.constant 0 : i32
    %add3A_4 = arith.addi %mul3A_2, %add3A_3 : i32
    "tpu.region"() ({
      %run_scoped3A = tpu.sem_alloc : memref<!tpu.dma_semaphore, #tpu.memory_space<semaphore_mem>>
      %dma_start3A_19 = tpu.memref_slice %arg3[%add3A_4] : memref<2048xi32, #tpu.memory_space<hbm>> -> memref<32xi32, #tpu.memory_space<hbm>>
      %dma_start3A_20 = tpu.memref_slice %arg3[%add3A_4] : memref<2048xi32, #tpu.memory_space<hbm>> -> memref<32xi32, #tpu.memory_space<hbm>>
      tpu.enqueue_dma source(%dma_start3A_20 : memref<32xi32, #tpu.memory_space<hbm>>) target(%arg5 : memref<32xi32, #tpu.memory_space<vmem>>) target_semaphore(%run_scoped3A : memref<!tpu.dma_semaphore, #tpu.memory_space<semaphore_mem>>)
      %dma_wait3A_21 = tpu.memref_slice %arg3[%add3A_4] : memref<2048xi32, #tpu.memory_space<hbm>> -> memref<32xi32, #tpu.memory_space<hbm>>
      %dma_wait3A_22 = tpu.memref_slice %arg3[%add3A_4] : memref<2048xi32, #tpu.memory_space<hbm>> -> memref<32xi32, #tpu.memory_space<hbm>>
      tpu.wait_dma2 semaphore(%run_scoped3A : memref<!tpu.dma_semaphore, #tpu.memory_space<semaphore_mem>>) src(%dma_wait3A_22 : memref<32xi32, #tpu.memory_space<hbm>>) dst(%arg5 : memref<32xi32, #tpu.memory_space<vmem>>)
      tpu.yield
    }) : () -> ()
    %dma_start3A = arith.constant 0 : i32
    %dma_start3A_5 = arith.constant 0 : i32
    %dma_start3A_6 = tpu.memref_slice %arg2[%dma_start3A, %dma_start3A_5] : memref<2816x3072xf32, #tpu.memory_space<hbm>> -> memref<2816x3072xf32, #tpu.memory_space<hbm>>
    tpu.enqueue_indirect_dma source(%dma_start3A_6 : memref<2816x3072xf32, #tpu.memory_space<hbm>>) target(%arg6 : memref<32x3072xf32, #tpu.memory_space<vmem>>) offsets(%arg5 : memref<32xi32, #tpu.memory_space<vmem>>) semaphore(%arg7 : memref<!tpu.dma_semaphore, #tpu.memory_space<semaphore_mem>>)
    %dma_wait3A = arith.constant 0 : i32
    %dma_wait3A_7 = arith.constant 0 : i32
    %dma_wait3A_8 = tpu.memref_slice %arg2[%dma_wait3A, %dma_wait3A_7] : memref<2816x3072xf32, #tpu.memory_space<hbm>> -> memref<2816x3072xf32, #tpu.memory_space<hbm>>
    tpu.wait_indirect_dma semaphore(%arg7 : memref<!tpu.dma_semaphore, #tpu.memory_space<semaphore_mem>>) src(%dma_wait3A_8 : memref<2816x3072xf32, #tpu.memory_space<hbm>>) dst(%arg6 : memref<32x3072xf32, #tpu.memory_space<vmem>>)
    "tpu.region"() ({
      %run_scoped3A = tpu.sem_alloc : memref<!tpu.dma_semaphore, #tpu.memory_space<semaphore_mem>>
      %dma_start3A_19 = arith.constant 0 : i32
      %dma_start3A_20 = tpu.memref_slice %arg4[%add3A_4, %dma_start3A_19] : memref<2048x3072xf32, #tpu.memory_space<hbm>> -> memref<32x3072xf32, #tpu.memory_space<hbm>>
      %dma_start3A_21 = arith.constant 0 : i32
      %dma_start3A_22 = tpu.memref_slice %arg4[%add3A_4, %dma_start3A_21] : memref<2048x3072xf32, #tpu.memory_space<hbm>> -> memref<32x3072xf32, #tpu.memory_space<hbm>>
      tpu.enqueue_dma source(%arg6 : memref<32x3072xf32, #tpu.memory_space<vmem>>) target(%dma_start3A_22 : memref<32x3072xf32, #tpu.memory_space<hbm>>) target_semaphore(%run_scoped3A : memref<!tpu.dma_semaphore, #tpu.memory_space<semaphore_mem>>)
      %dma_wait3A_23 = arith.constant 0 : i32
      %dma_wait3A_24 = tpu.memref_slice %arg4[%add3A_4, %dma_wait3A_23] : memref<2048x3072xf32, #tpu.memory_space<hbm>> -> memref<32x3072xf32, #tpu.memory_space<hbm>>
      %dma_wait3A_25 = arith.constant 0 : i32
      %dma_wait3A_26 = tpu.memref_slice %arg4[%add3A_4, %dma_wait3A_25] : memref<2048x3072xf32, #tpu.memory_space<hbm>> -> memref<32x3072xf32, #tpu.memory_space<hbm>>
      tpu.wait_dma2 semaphore(%run_scoped3A : memref<!tpu.dma_semaphore, #tpu.memory_space<semaphore_mem>>) src(%arg6 : memref<32x3072xf32, #tpu.memory_space<vmem>>) dst(%dma_wait3A_26 : memref<32x3072xf32, #tpu.memory_space<hbm>>)
      tpu.yield
    }) : () -> ()
    %mul3A_9 = arith.constant 64 : i32
    %mul3A_10 = arith.muli %add3A, %mul3A_9 : i32
    %add3A_11 = arith.constant 32 : i32
    %add3A_12 = arith.addi %mul3A_10, %add3A_11 : i32
    "tpu.region"() ({
      %run_scoped3A = tpu.sem_alloc : memref<!tpu.dma_semaphore, #tpu.memory_space<semaphore_mem>>
      %dma_start3A_19 = tpu.memref_slice %arg3[%add3A_12] : memref<2048xi32, #tpu.memory_space<hbm>> -> memref<32xi32, #tpu.memory_space<hbm>>
      %dma_start3A_20 = tpu.memref_slice %arg3[%add3A_12] : memref<2048xi32, #tpu.memory_space<hbm>> -> memref<32xi32, #tpu.memory_space<hbm>>
      tpu.enqueue_dma source(%dma_start3A_20 : memref<32xi32, #tpu.memory_space<hbm>>) target(%arg5 : memref<32xi32, #tpu.memory_space<vmem>>) target_semaphore(%run_scoped3A : memref<!tpu.dma_semaphore, #tpu.memory_space<semaphore_mem>>)
      %dma_wait3A_21 = tpu.memref_slice %arg3[%add3A_12] : memref<2048xi32, #tpu.memory_space<hbm>> -> memref<32xi32, #tpu.memory_space<hbm>>
      %dma_wait3A_22 = tpu.memref_slice %arg3[%add3A_12] : memref<2048xi32, #tpu.memory_space<hbm>> -> memref<32xi32, #tpu.memory_space<hbm>>
      tpu.wait_dma2 semaphore(%run_scoped3A : memref<!tpu.dma_semaphore, #tpu.memory_space<semaphore_mem>>) src(%dma_wait3A_22 : memref<32xi32, #tpu.memory_space<hbm>>) dst(%arg5 : memref<32xi32, #tpu.memory_space<vmem>>)
      tpu.yield
    }) : () -> ()
    %dma_start3A_13 = arith.constant 0 : i32
    %dma_start3A_14 = arith.constant 0 : i32
    %dma_start3A_15 = tpu.memref_slice %arg2[%dma_start3A_13, %dma_start3A_14] : memref<2816x3072xf32, #tpu.memory_space<hbm>> -> memref<2816x3072xf32, #tpu.memory_space<hbm>>
    tpu.enqueue_indirect_dma source(%dma_start3A_15 : memref<2816x3072xf32, #tpu.memory_space<hbm>>) target(%arg6 : memref<32x3072xf32, #tpu.memory_space<vmem>>) offsets(%arg5 : memref<32xi32, #tpu.memory_space<vmem>>) semaphore(%arg7 : memref<!tpu.dma_semaphore, #tpu.memory_space<semaphore_mem>>)
    %dma_wait3A_16 = arith.constant 0 : i32
    %dma_wait3A_17 = arith.constant 0 : i32
    %dma_wait3A_18 = tpu.memref_slice %arg2[%dma_wait3A_16, %dma_wait3A_17] : memref<2816x3072xf32, #tpu.memory_space<hbm>> -> memref<2816x3072xf32, #tpu.memory_space<hbm>>
    tpu.wait_indirect_dma semaphore(%arg7 : memref<!tpu.dma_semaphore, #tpu.memory_space<semaphore_mem>>) src(%dma_wait3A_18 : memref<2816x3072xf32, #tpu.memory_space<hbm>>) dst(%arg6 : memref<32x3072xf32, #tpu.memory_space<vmem>>)
    "tpu.region"() ({
      %run_scoped3A = tpu.sem_alloc : memref<!tpu.dma_semaphore, #tpu.memory_space<semaphore_mem>>
      %dma_start3A_19 = arith.constant 0 : i32
      %dma_start3A_20 = tpu.memref_slice %arg4[%add3A_12, %dma_start3A_19] : memref<2048x3072xf32, #tpu.memory_space<hbm>> -> memref<32x3072xf32, #tpu.memory_space<hbm>>
      %dma_start3A_21 = arith.constant 0 : i32
      %dma_start3A_22 = tpu.memref_slice %arg4[%add3A_12, %dma_start3A_21] : memref<2048x3072xf32, #tpu.memory_space<hbm>> -> memref<32x3072xf32, #tpu.memory_space<hbm>>
      tpu.enqueue_dma source(%arg6 : memref<32x3072xf32, #tpu.memory_space<vmem>>) target(%dma_start3A_22 : memref<32x3072xf32, #tpu.memory_space<hbm>>) target_semaphore(%run_scoped3A : memref<!tpu.dma_semaphore, #tpu.memory_space<semaphore_mem>>)
      %dma_wait3A_23 = arith.constant 0 : i32
      %dma_wait3A_24 = tpu.memref_slice %arg4[%add3A_12, %dma_wait3A_23] : memref<2048x3072xf32, #tpu.memory_space<hbm>> -> memref<32x3072xf32, #tpu.memory_space<hbm>>
      %dma_wait3A_25 = arith.constant 0 : i32
      %dma_wait3A_26 = tpu.memref_slice %arg4[%add3A_12, %dma_wait3A_25] : memref<2048x3072xf32, #tpu.memory_space<hbm>> -> memref<32x3072xf32, #tpu.memory_space<hbm>>
      tpu.wait_dma2 semaphore(%run_scoped3A : memref<!tpu.dma_semaphore, #tpu.memory_space<semaphore_mem>>) src(%arg6 : memref<32x3072xf32, #tpu.memory_space<vmem>>) dst(%dma_wait3A_26 : memref<32x3072xf32, #tpu.memory_space<hbm>>)
      tpu.yield
    }) : () -> ()
    return
  }
}

#map = affine_map<(d0, d1) -> (0, 0)>
#map1 = affine_map<(d0, d1) -> (0)>
module attributes {stable_mosaic.version = 14 : i64} {
  func.func @_sc_scatter(%arg0: i32, %arg1: i32, %arg2: memref<2048x2048xf32, #tpu.memory_space<hbm>>, %arg3: memref<2048xi32, #tpu.memory_space<hbm>>, %arg4: memref<2816x2048xf32, #tpu.memory_space<hbm>>, %arg5: memref<32xi32, #tpu.memory_space<vmem>>, %arg6: memref<32x2048xf32, #tpu.memory_space<vmem>>, %arg7: memref<!tpu.dma_semaphore, #tpu.memory_space<semaphore_mem>>) attributes {dimension_semantics = [#tpu.dimension_semantics<core_parallel>, #tpu.dimension_semantics<subcore_parallel>], iteration_bounds = array<i64: 2, 16>, scalar_prefetch = 0 : i64, scratch_operands = 3 : i64, tpu.core_type = #tpu.core_type<sc_vector_subcore>, window_params = [{transform_indices = #map}, {transform_indices = #map1}, {transform_indices = #map}]} {
    %mul3A = arith.constant 16 : i32
    %mul3A_0 = arith.muli %arg0, %mul3A : i32
    %add3A = arith.addi %mul3A_0, %arg1 : i32
    %mul3A_1 = arith.constant 64 : i32
    %mul3A_2 = arith.muli %add3A, %mul3A_1 : i32
    %add3A_3 = arith.constant 0 : i32
    %add3A_4 = arith.addi %mul3A_2, %add3A_3 : i32
    "tpu.region"() ({
      %run_scoped3A = tpu.sem_alloc : memref<!tpu.dma_semaphore, #tpu.memory_space<semaphore_mem>>
      %dma_start3A_19 = tpu.memref_slice %arg3[%add3A_4] : memref<2048xi32, #tpu.memory_space<hbm>> -> memref<32xi32, #tpu.memory_space<hbm>>
      %dma_start3A_20 = tpu.memref_slice %arg3[%add3A_4] : memref<2048xi32, #tpu.memory_space<hbm>> -> memref<32xi32, #tpu.memory_space<hbm>>
      tpu.enqueue_dma source(%dma_start3A_20 : memref<32xi32, #tpu.memory_space<hbm>>) target(%arg5 : memref<32xi32, #tpu.memory_space<vmem>>) target_semaphore(%run_scoped3A : memref<!tpu.dma_semaphore, #tpu.memory_space<semaphore_mem>>)
      %dma_wait3A_21 = tpu.memref_slice %arg3[%add3A_4] : memref<2048xi32, #tpu.memory_space<hbm>> -> memref<32xi32, #tpu.memory_space<hbm>>
      %dma_wait3A_22 = tpu.memref_slice %arg3[%add3A_4] : memref<2048xi32, #tpu.memory_space<hbm>> -> memref<32xi32, #tpu.memory_space<hbm>>
      tpu.wait_dma2 semaphore(%run_scoped3A : memref<!tpu.dma_semaphore, #tpu.memory_space<semaphore_mem>>) src(%dma_wait3A_22 : memref<32xi32, #tpu.memory_space<hbm>>) dst(%arg5 : memref<32xi32, #tpu.memory_space<vmem>>)
      tpu.yield
    }) : () -> ()
    "tpu.region"() ({
      %run_scoped3A = tpu.sem_alloc : memref<!tpu.dma_semaphore, #tpu.memory_space<semaphore_mem>>
      %dma_start3A_19 = arith.constant 0 : i32
      %dma_start3A_20 = tpu.memref_slice %arg2[%add3A_4, %dma_start3A_19] : memref<2048x2048xf32, #tpu.memory_space<hbm>> -> memref<32x2048xf32, #tpu.memory_space<hbm>>
      %dma_start3A_21 = arith.constant 0 : i32
      %dma_start3A_22 = tpu.memref_slice %arg2[%add3A_4, %dma_start3A_21] : memref<2048x2048xf32, #tpu.memory_space<hbm>> -> memref<32x2048xf32, #tpu.memory_space<hbm>>
      tpu.enqueue_dma source(%dma_start3A_22 : memref<32x2048xf32, #tpu.memory_space<hbm>>) target(%arg6 : memref<32x2048xf32, #tpu.memory_space<vmem>>) target_semaphore(%run_scoped3A : memref<!tpu.dma_semaphore, #tpu.memory_space<semaphore_mem>>)
      %dma_wait3A_23 = arith.constant 0 : i32
      %dma_wait3A_24 = tpu.memref_slice %arg2[%add3A_4, %dma_wait3A_23] : memref<2048x2048xf32, #tpu.memory_space<hbm>> -> memref<32x2048xf32, #tpu.memory_space<hbm>>
      %dma_wait3A_25 = arith.constant 0 : i32
      %dma_wait3A_26 = tpu.memref_slice %arg2[%add3A_4, %dma_wait3A_25] : memref<2048x2048xf32, #tpu.memory_space<hbm>> -> memref<32x2048xf32, #tpu.memory_space<hbm>>
      tpu.wait_dma2 semaphore(%run_scoped3A : memref<!tpu.dma_semaphore, #tpu.memory_space<semaphore_mem>>) src(%dma_wait3A_26 : memref<32x2048xf32, #tpu.memory_space<hbm>>) dst(%arg6 : memref<32x2048xf32, #tpu.memory_space<vmem>>)
      tpu.yield
    }) : () -> ()
    %dma_start3A = arith.constant 0 : i32
    %dma_start3A_5 = arith.constant 0 : i32
    %dma_start3A_6 = tpu.memref_slice %arg4[%dma_start3A, %dma_start3A_5] : memref<2816x2048xf32, #tpu.memory_space<hbm>> -> memref<2816x2048xf32, #tpu.memory_space<hbm>>
    tpu.enqueue_indirect_dma source(%arg6 : memref<32x2048xf32, #tpu.memory_space<vmem>>) target(%dma_start3A_6 : memref<2816x2048xf32, #tpu.memory_space<hbm>>) offsets(%arg5 : memref<32xi32, #tpu.memory_space<vmem>>) semaphore(%arg7 : memref<!tpu.dma_semaphore, #tpu.memory_space<semaphore_mem>>)
    %dma_wait3A = arith.constant 0 : i32
    %dma_wait3A_7 = arith.constant 0 : i32
    %dma_wait3A_8 = tpu.memref_slice %arg4[%dma_wait3A, %dma_wait3A_7] : memref<2816x2048xf32, #tpu.memory_space<hbm>> -> memref<2816x2048xf32, #tpu.memory_space<hbm>>
    tpu.wait_indirect_dma semaphore(%arg7 : memref<!tpu.dma_semaphore, #tpu.memory_space<semaphore_mem>>) src(%arg6 : memref<32x2048xf32, #tpu.memory_space<vmem>>) dst(%dma_wait3A_8 : memref<2816x2048xf32, #tpu.memory_space<hbm>>)
    %mul3A_9 = arith.constant 64 : i32
    %mul3A_10 = arith.muli %add3A, %mul3A_9 : i32
    %add3A_11 = arith.constant 32 : i32
    %add3A_12 = arith.addi %mul3A_10, %add3A_11 : i32
    "tpu.region"() ({
      %run_scoped3A = tpu.sem_alloc : memref<!tpu.dma_semaphore, #tpu.memory_space<semaphore_mem>>
      %dma_start3A_19 = tpu.memref_slice %arg3[%add3A_12] : memref<2048xi32, #tpu.memory_space<hbm>> -> memref<32xi32, #tpu.memory_space<hbm>>
      %dma_start3A_20 = tpu.memref_slice %arg3[%add3A_12] : memref<2048xi32, #tpu.memory_space<hbm>> -> memref<32xi32, #tpu.memory_space<hbm>>
      tpu.enqueue_dma source(%dma_start3A_20 : memref<32xi32, #tpu.memory_space<hbm>>) target(%arg5 : memref<32xi32, #tpu.memory_space<vmem>>) target_semaphore(%run_scoped3A : memref<!tpu.dma_semaphore, #tpu.memory_space<semaphore_mem>>)
      %dma_wait3A_21 = tpu.memref_slice %arg3[%add3A_12] : memref<2048xi32, #tpu.memory_space<hbm>> -> memref<32xi32, #tpu.memory_space<hbm>>
      %dma_wait3A_22 = tpu.memref_slice %arg3[%add3A_12] : memref<2048xi32, #tpu.memory_space<hbm>> -> memref<32xi32, #tpu.memory_space<hbm>>
      tpu.wait_dma2 semaphore(%run_scoped3A : memref<!tpu.dma_semaphore, #tpu.memory_space<semaphore_mem>>) src(%dma_wait3A_22 : memref<32xi32, #tpu.memory_space<hbm>>) dst(%arg5 : memref<32xi32, #tpu.memory_space<vmem>>)
      tpu.yield
    }) : () -> ()
    "tpu.region"() ({
      %run_scoped3A = tpu.sem_alloc : memref<!tpu.dma_semaphore, #tpu.memory_space<semaphore_mem>>
      %dma_start3A_19 = arith.constant 0 : i32
      %dma_start3A_20 = tpu.memref_slice %arg2[%add3A_12, %dma_start3A_19] : memref<2048x2048xf32, #tpu.memory_space<hbm>> -> memref<32x2048xf32, #tpu.memory_space<hbm>>
      %dma_start3A_21 = arith.constant 0 : i32
      %dma_start3A_22 = tpu.memref_slice %arg2[%add3A_12, %dma_start3A_21] : memref<2048x2048xf32, #tpu.memory_space<hbm>> -> memref<32x2048xf32, #tpu.memory_space<hbm>>
      tpu.enqueue_dma source(%dma_start3A_22 : memref<32x2048xf32, #tpu.memory_space<hbm>>) target(%arg6 : memref<32x2048xf32, #tpu.memory_space<vmem>>) target_semaphore(%run_scoped3A : memref<!tpu.dma_semaphore, #tpu.memory_space<semaphore_mem>>)
      %dma_wait3A_23 = arith.constant 0 : i32
      %dma_wait3A_24 = tpu.memref_slice %arg2[%add3A_12, %dma_wait3A_23] : memref<2048x2048xf32, #tpu.memory_space<hbm>> -> memref<32x2048xf32, #tpu.memory_space<hbm>>
      %dma_wait3A_25 = arith.constant 0 : i32
      %dma_wait3A_26 = tpu.memref_slice %arg2[%add3A_12, %dma_wait3A_25] : memref<2048x2048xf32, #tpu.memory_space<hbm>> -> memref<32x2048xf32, #tpu.memory_space<hbm>>
      tpu.wait_dma2 semaphore(%run_scoped3A : memref<!tpu.dma_semaphore, #tpu.memory_space<semaphore_mem>>) src(%dma_wait3A_26 : memref<32x2048xf32, #tpu.memory_space<hbm>>) dst(%arg6 : memref<32x2048xf32, #tpu.memory_space<vmem>>)
      tpu.yield
    }) : () -> ()
    %dma_start3A_13 = arith.constant 0 : i32
    %dma_start3A_14 = arith.constant 0 : i32
    %dma_start3A_15 = tpu.memref_slice %arg4[%dma_start3A_13, %dma_start3A_14] : memref<2816x2048xf32, #tpu.memory_space<hbm>> -> memref<2816x2048xf32, #tpu.memory_space<hbm>>
    tpu.enqueue_indirect_dma source(%arg6 : memref<32x2048xf32, #tpu.memory_space<vmem>>) target(%dma_start3A_15 : memref<2816x2048xf32, #tpu.memory_space<hbm>>) offsets(%arg5 : memref<32xi32, #tpu.memory_space<vmem>>) semaphore(%arg7 : memref<!tpu.dma_semaphore, #tpu.memory_space<semaphore_mem>>)
    %dma_wait3A_16 = arith.constant 0 : i32
    %dma_wait3A_17 = arith.constant 0 : i32
    %dma_wait3A_18 = tpu.memref_slice %arg4[%dma_wait3A_16, %dma_wait3A_17] : memref<2816x2048xf32, #tpu.memory_space<hbm>> -> memref<2816x2048xf32, #tpu.memory_space<hbm>>
    tpu.wait_indirect_dma semaphore(%arg7 : memref<!tpu.dma_semaphore, #tpu.memory_space<semaphore_mem>>) src(%arg6 : memref<32x2048xf32, #tpu.memory_space<vmem>>) dst(%dma_wait3A_18 : memref<2816x2048xf32, #tpu.memory_space<hbm>>)
    return
  }
}

module attributes {stable_mosaic.version = 14 : i64} {
  func.func @_route_body(%arg0: memref<16x128xi32, #tpu.memory_space<vmem>>, %arg1: memref<16x128xi32, #tpu.memory_space<vmem>>, %arg2: memref<1x16xi32, #tpu.memory_space<vmem>>) attributes {dimension_semantics = [], scalar_prefetch = 0 : i64, scratch_operands = 0 : i64, tpu.core_type = #tpu.core_type<tc>} {
    %get3A = arith.constant 0 : index
    %get3A_0 = arith.constant 0 : index
    %get3A_1 = vector.load %arg0[%get3A, %get3A_0] : memref<16x128xi32, #tpu.memory_space<vmem>>, vector<16x128xi32>
    %iota3A = tpu.iota {dimensions = array<i32: 0>} : vector<128x128xi32>
    %iota3A_2 = tpu.iota {dimensions = array<i32: 1>} : vector<128x128xi32>
    %lt3A = arith.cmpi slt, %iota3A, %iota3A_2 : vector<128x128xi32>
    %convert_element_type3A = arith.extui %lt3A : vector<128x128xi1> to vector<128x128xi32>
    %convert_element_type3A_3 = arith.sitofp %convert_element_type3A : vector<128x128xi32> to vector<128x128xf32>
    %convert_element_type3A_4 = arith.truncf %convert_element_type3A_3 : vector<128x128xf32> to vector<128x128xbf16>
    %iota3A_5 = tpu.iota {dimensions = array<i32: 0>} : vector<16x16xi32>
    %iota3A_6 = tpu.iota {dimensions = array<i32: 1>} : vector<16x16xi32>
    %lt3A_7 = arith.cmpi slt, %iota3A_6, %iota3A_5 : vector<16x16xi32>
    %convert_element_type3A_8 = arith.extui %lt3A_7 : vector<16x16xi1> to vector<16x16xi32>
    %convert_element_type3A_9 = arith.sitofp %convert_element_type3A_8 : vector<16x16xi32> to vector<16x16xf32>
    %convert_element_type3A_10 = arith.truncf %convert_element_type3A_9 : vector<16x16xf32> to vector<16x16xbf16>
    %iota3A_11 = tpu.iota {dimensions = array<i32: 1>} : vector<1x16xi32>
    %broadcast_in_dim3A = arith.constant 0 : i32
    %broadcast_in_dim3A_12 = vector.broadcast %broadcast_in_dim3A : i32 to vector<1x1xi32>
    %broadcast_in_dim3A_13 = arith.constant 0 : i32
    %broadcast_in_dim3A_14 = vector.broadcast %broadcast_in_dim3A_13 : i32 to vector<16x128xi32>
    %broadcast_in_dim3A_15 = arith.constant -1 : i32
    %broadcast_in_dim3A_16 = vector.broadcast %broadcast_in_dim3A_15 : i32 to vector<1x16xi32>
    %eq3A = arith.constant 0 : i32
    %eq3A_17 = vector.broadcast %eq3A : i32 to vector<16x128xi32>
    %eq3A_18 = arith.cmpi eq, %get3A_1, %eq3A_17 : vector<16x128xi32>
    %convert_element_type3A_19 = arith.extui %eq3A_18 : vector<16x128xi1> to vector<16x128xi32>
    %convert_element_type3A_20 = arith.sitofp %convert_element_type3A_19 : vector<16x128xi32> to vector<16x128xf32>
    %convert_element_type3A_21 = arith.truncf %convert_element_type3A_20 : vector<16x128xf32> to vector<16x128xbf16>
    %dot_general3A = arith.constant dense<0.000000e+00> : vector<16x128xf32>
    %dot_general3A_22 = tpu.matmul %convert_element_type3A_21, %convert_element_type3A_4, %dot_general3A {dimension_numbers = #tpu.dot_dimension_numbers<[1], [0], [0], [1], [0, 0, 1, 1], [], []>, transpose_lhs_hint = false} : vector<16x128xbf16>, vector<128x128xbf16>, vector<16x128xf32> -> vector<16x128xf32>
    %convert_element_type3A_23 = arith.extf %convert_element_type3A_21 : vector<16x128xbf16> to vector<16x128xf32>
    %reduce_sum3A = arith.constant dense<0.000000e+00> : vector<16xf32>
    %reduce_sum3A_24 = vector.multi_reduction <add>, %convert_element_type3A_23, %reduce_sum3A [1] : vector<16x128xf32> to vector<16xf32>
    %broadcast_in_dim3A_25 = vector.shape_cast %reduce_sum3A_24 : vector<16xf32> to vector<16x1xf32>
    %convert_element_type3A_26 = arith.truncf %broadcast_in_dim3A_25 : vector<16x1xf32> to vector<16x1xbf16>
    %dot_general3A_27 = arith.constant dense<0.000000e+00> : vector<16x1xf32>
    %dot_general3A_28 = tpu.matmul %convert_element_type3A_10, %convert_element_type3A_26, %dot_general3A_27 {dimension_numbers = #tpu.dot_dimension_numbers<[1], [0], [0], [1], [0, 0, 1, 1], [], []>, transpose_lhs_hint = false} : vector<16x16xbf16>, vector<16x1xbf16>, vector<16x1xf32> -> vector<16x1xf32>
    %add3A = vector.broadcast %dot_general3A_28 : vector<16x1xf32> to vector<16x128xf32>
    %add3A_29 = arith.addf %dot_general3A_22, %add3A : vector<16x128xf32>
    %convert_element_type3A_30 = arith.fptosi %add3A_29 : vector<16x128xf32> to vector<16x128xi32>
    %reduce_sum3A_31 = arith.constant dense<0.000000e+00> : vector<1xf32>
    %reduce_sum3A_32 = vector.multi_reduction <add>, %broadcast_in_dim3A_25, %reduce_sum3A_31 [0] : vector<16x1xf32> to vector<1xf32>
    %broadcast_in_dim3A_33 = vector.shape_cast %reduce_sum3A_32 : vector<1xf32> to vector<1x1xf32>
    %convert_element_type3A_34 = arith.fptosi %broadcast_in_dim3A_33 : vector<1x1xf32> to vector<1x1xi32>
    %add3A_35 = arith.constant 255 : i32
    %add3A_36 = vector.broadcast %add3A_35 : i32 to vector<1x1xi32>
    %add3A_37 = arith.addi %convert_element_type3A_34, %add3A_36 : vector<1x1xi32>
    %shift_right_arithmetic3A = arith.constant 8 : i32
    %shift_right_arithmetic3A_38 = vector.broadcast %shift_right_arithmetic3A : i32 to vector<1x1xi32>
    %shift_right_arithmetic3A_39 = arith.shrsi %add3A_37, %shift_right_arithmetic3A_38 : vector<1x1xi32>
    %mul3A = arith.constant 256 : i32
    %mul3A_40 = vector.broadcast %mul3A : i32 to vector<1x1xi32>
    %mul3A_41 = arith.muli %mul3A_40, %broadcast_in_dim3A_12 : vector<1x1xi32>
    %add3A_42 = vector.broadcast %mul3A_41 : vector<1x1xi32> to vector<16x128xi32>
    %add3A_43 = arith.addi %add3A_42, %convert_element_type3A_30 : vector<16x128xi32>
    %jit3A = arith.constant 0 : i32
    %broadcast_in_dim3A_44 = vector.broadcast %jit3A : i32 to vector<16x128xi32>
    %select_n3A = arith.select %eq3A_18, %add3A_43, %broadcast_in_dim3A_44 : vector<16x128xi1>, vector<16x128xi32>
    %add3A_45 = arith.addi %broadcast_in_dim3A_14, %select_n3A : vector<16x128xi32>
    %le3A = vector.broadcast %broadcast_in_dim3A_12 : vector<1x1xi32> to vector<1x16xi32>
    %le3A_46 = arith.cmpi sle, %le3A, %iota3A_11 : vector<1x16xi32>
    %convert_element_type3A_47 = arith.extui %le3A_46 : vector<1x16xi1> to vector<1x16xi32>
    %add3A_48 = arith.addi %broadcast_in_dim3A_16, %convert_element_type3A_47 : vector<1x16xi32>
    %add3A_49 = arith.addi %broadcast_in_dim3A_12, %shift_right_arithmetic3A_39 : vector<1x1xi32>
    %eq3A_50 = arith.constant 1 : i32
    %eq3A_51 = vector.broadcast %eq3A_50 : i32 to vector<16x128xi32>
    %eq3A_52 = arith.cmpi eq, %get3A_1, %eq3A_51 : vector<16x128xi32>
    %convert_element_type3A_53 = arith.extui %eq3A_52 : vector<16x128xi1> to vector<16x128xi32>
    %convert_element_type3A_54 = arith.sitofp %convert_element_type3A_53 : vector<16x128xi32> to vector<16x128xf32>
    %convert_element_type3A_55 = arith.truncf %convert_element_type3A_54 : vector<16x128xf32> to vector<16x128xbf16>
    %dot_general3A_56 = arith.constant dense<0.000000e+00> : vector<16x128xf32>
    %dot_general3A_57 = tpu.matmul %convert_element_type3A_55, %convert_element_type3A_4, %dot_general3A_56 {dimension_numbers = #tpu.dot_dimension_numbers<[1], [0], [0], [1], [0, 0, 1, 1], [], []>, transpose_lhs_hint = false} : vector<16x128xbf16>, vector<128x128xbf16>, vector<16x128xf32> -> vector<16x128xf32>
    %convert_element_type3A_58 = arith.extf %convert_element_type3A_55 : vector<16x128xbf16> to vector<16x128xf32>
    %reduce_sum3A_59 = arith.constant dense<0.000000e+00> : vector<16xf32>
    %reduce_sum3A_60 = vector.multi_reduction <add>, %convert_element_type3A_58, %reduce_sum3A_59 [1] : vector<16x128xf32> to vector<16xf32>
    %broadcast_in_dim3A_61 = vector.shape_cast %reduce_sum3A_60 : vector<16xf32> to vector<16x1xf32>
    %convert_element_type3A_62 = arith.truncf %broadcast_in_dim3A_61 : vector<16x1xf32> to vector<16x1xbf16>
    %dot_general3A_63 = arith.constant dense<0.000000e+00> : vector<16x1xf32>
    %dot_general3A_64 = tpu.matmul %convert_element_type3A_10, %convert_element_type3A_62, %dot_general3A_63 {dimension_numbers = #tpu.dot_dimension_numbers<[1], [0], [0], [1], [0, 0, 1, 1], [], []>, transpose_lhs_hint = false} : vector<16x16xbf16>, vector<16x1xbf16>, vector<16x1xf32> -> vector<16x1xf32>
    %add3A_65 = vector.broadcast %dot_general3A_64 : vector<16x1xf32> to vector<16x128xf32>
    %add3A_66 = arith.addf %dot_general3A_57, %add3A_65 : vector<16x128xf32>
    %convert_element_type3A_67 = arith.fptosi %add3A_66 : vector<16x128xf32> to vector<16x128xi32>
    %reduce_sum3A_68 = arith.constant dense<0.000000e+00> : vector<1xf32>
    %reduce_sum3A_69 = vector.multi_reduction <add>, %broadcast_in_dim3A_61, %reduce_sum3A_68 [0] : vector<16x1xf32> to vector<1xf32>
    %broadcast_in_dim3A_70 = vector.shape_cast %reduce_sum3A_69 : vector<1xf32> to vector<1x1xf32>
    %convert_element_type3A_71 = arith.fptosi %broadcast_in_dim3A_70 : vector<1x1xf32> to vector<1x1xi32>
    %add3A_72 = arith.constant 255 : i32
    %add3A_73 = vector.broadcast %add3A_72 : i32 to vector<1x1xi32>
    %add3A_74 = arith.addi %convert_element_type3A_71, %add3A_73 : vector<1x1xi32>
    %shift_right_arithmetic3A_75 = arith.constant 8 : i32
    %shift_right_arithmetic3A_76 = vector.broadcast %shift_right_arithmetic3A_75 : i32 to vector<1x1xi32>
    %shift_right_arithmetic3A_77 = arith.shrsi %add3A_74, %shift_right_arithmetic3A_76 : vector<1x1xi32>
    %mul3A_78 = arith.constant 256 : i32
    %mul3A_79 = vector.broadcast %mul3A_78 : i32 to vector<1x1xi32>
    %mul3A_80 = arith.muli %mul3A_79, %add3A_49 : vector<1x1xi32>
    %add3A_81 = vector.broadcast %mul3A_80 : vector<1x1xi32> to vector<16x128xi32>
    %add3A_82 = arith.addi %add3A_81, %convert_element_type3A_67 : vector<16x128xi32>
    %jit3A_83 = arith.constant 0 : i32
    %broadcast_in_dim3A_84 = vector.broadcast %jit3A_83 : i32 to vector<16x128xi32>
    %select_n3A_85 = arith.select %eq3A_52, %add3A_82, %broadcast_in_dim3A_84 : vector<16x128xi1>, vector<16x128xi32>
    %add3A_86 = arith.addi %add3A_45, %select_n3A_85 : vector<16x128xi32>
    %le3A_87 = vector.broadcast %add3A_49 : vector<1x1xi32> to vector<1x16xi32>
    %le3A_88 = arith.cmpi sle, %le3A_87, %iota3A_11 : vector<1x16xi32>
    %convert_element_type3A_89 = arith.extui %le3A_88 : vector<1x16xi1> to vector<1x16xi32>
    %add3A_90 = arith.addi %add3A_48, %convert_element_type3A_89 : vector<1x16xi32>
    %add3A_91 = arith.addi %add3A_49, %shift_right_arithmetic3A_77 : vector<1x1xi32>
    %eq3A_92 = arith.constant 2 : i32
    %eq3A_93 = vector.broadcast %eq3A_92 : i32 to vector<16x128xi32>
    %eq3A_94 = arith.cmpi eq, %get3A_1, %eq3A_93 : vector<16x128xi32>
    %convert_element_type3A_95 = arith.extui %eq3A_94 : vector<16x128xi1> to vector<16x128xi32>
    %convert_element_type3A_96 = arith.sitofp %convert_element_type3A_95 : vector<16x128xi32> to vector<16x128xf32>
    %convert_element_type3A_97 = arith.truncf %convert_element_type3A_96 : vector<16x128xf32> to vector<16x128xbf16>
    %dot_general3A_98 = arith.constant dense<0.000000e+00> : vector<16x128xf32>
    %dot_general3A_99 = tpu.matmul %convert_element_type3A_97, %convert_element_type3A_4, %dot_general3A_98 {dimension_numbers = #tpu.dot_dimension_numbers<[1], [0], [0], [1], [0, 0, 1, 1], [], []>, transpose_lhs_hint = false} : vector<16x128xbf16>, vector<128x128xbf16>, vector<16x128xf32> -> vector<16x128xf32>
    %convert_element_type3A_100 = arith.extf %convert_element_type3A_97 : vector<16x128xbf16> to vector<16x128xf32>
    %reduce_sum3A_101 = arith.constant dense<0.000000e+00> : vector<16xf32>
    %reduce_sum3A_102 = vector.multi_reduction <add>, %convert_element_type3A_100, %reduce_sum3A_101 [1] : vector<16x128xf32> to vector<16xf32>
    %broadcast_in_dim3A_103 = vector.shape_cast %reduce_sum3A_102 : vector<16xf32> to vector<16x1xf32>
    %convert_element_type3A_104 = arith.truncf %broadcast_in_dim3A_103 : vector<16x1xf32> to vector<16x1xbf16>
    %dot_general3A_105 = arith.constant dense<0.000000e+00> : vector<16x1xf32>
    %dot_general3A_106 = tpu.matmul %convert_element_type3A_10, %convert_element_type3A_104, %dot_general3A_105 {dimension_numbers = #tpu.dot_dimension_numbers<[1], [0], [0], [1], [0, 0, 1, 1], [], []>, transpose_lhs_hint = false} : vector<16x16xbf16>, vector<16x1xbf16>, vector<16x1xf32> -> vector<16x1xf32>
    %add3A_107 = vector.broadcast %dot_general3A_106 : vector<16x1xf32> to vector<16x128xf32>
    %add3A_108 = arith.addf %dot_general3A_99, %add3A_107 : vector<16x128xf32>
    %convert_element_type3A_109 = arith.fptosi %add3A_108 : vector<16x128xf32> to vector<16x128xi32>
    %reduce_sum3A_110 = arith.constant dense<0.000000e+00> : vector<1xf32>
    %reduce_sum3A_111 = vector.multi_reduction <add>, %broadcast_in_dim3A_103, %reduce_sum3A_110 [0] : vector<16x1xf32> to vector<1xf32>
    %broadcast_in_dim3A_112 = vector.shape_cast %reduce_sum3A_111 : vector<1xf32> to vector<1x1xf32>
    %convert_element_type3A_113 = arith.fptosi %broadcast_in_dim3A_112 : vector<1x1xf32> to vector<1x1xi32>
    %add3A_114 = arith.constant 255 : i32
    %add3A_115 = vector.broadcast %add3A_114 : i32 to vector<1x1xi32>
    %add3A_116 = arith.addi %convert_element_type3A_113, %add3A_115 : vector<1x1xi32>
    %shift_right_arithmetic3A_117 = arith.constant 8 : i32
    %shift_right_arithmetic3A_118 = vector.broadcast %shift_right_arithmetic3A_117 : i32 to vector<1x1xi32>
    %shift_right_arithmetic3A_119 = arith.shrsi %add3A_116, %shift_right_arithmetic3A_118 : vector<1x1xi32>
    %mul3A_120 = arith.constant 256 : i32
    %mul3A_121 = vector.broadcast %mul3A_120 : i32 to vector<1x1xi32>
    %mul3A_122 = arith.muli %mul3A_121, %add3A_91 : vector<1x1xi32>
    %add3A_123 = vector.broadcast %mul3A_122 : vector<1x1xi32> to vector<16x128xi32>
    %add3A_124 = arith.addi %add3A_123, %convert_element_type3A_109 : vector<16x128xi32>
    %jit3A_125 = arith.constant 0 : i32
    %broadcast_in_dim3A_126 = vector.broadcast %jit3A_125 : i32 to vector<16x128xi32>
    %select_n3A_127 = arith.select %eq3A_94, %add3A_124, %broadcast_in_dim3A_126 : vector<16x128xi1>, vector<16x128xi32>
    %add3A_128 = arith.addi %add3A_86, %select_n3A_127 : vector<16x128xi32>
    %le3A_129 = vector.broadcast %add3A_91 : vector<1x1xi32> to vector<1x16xi32>
    %le3A_130 = arith.cmpi sle, %le3A_129, %iota3A_11 : vector<1x16xi32>
    %convert_element_type3A_131 = arith.extui %le3A_130 : vector<1x16xi1> to vector<1x16xi32>
    %add3A_132 = arith.addi %add3A_90, %convert_element_type3A_131 : vector<1x16xi32>
    %add3A_133 = arith.addi %add3A_91, %shift_right_arithmetic3A_119 : vector<1x1xi32>
    %eq3A_134 = arith.constant 3 : i32
    %eq3A_135 = vector.broadcast %eq3A_134 : i32 to vector<16x128xi32>
    %eq3A_136 = arith.cmpi eq, %get3A_1, %eq3A_135 : vector<16x128xi32>
    %convert_element_type3A_137 = arith.extui %eq3A_136 : vector<16x128xi1> to vector<16x128xi32>
    %convert_element_type3A_138 = arith.sitofp %convert_element_type3A_137 : vector<16x128xi32> to vector<16x128xf32>
    %convert_element_type3A_139 = arith.truncf %convert_element_type3A_138 : vector<16x128xf32> to vector<16x128xbf16>
    %dot_general3A_140 = arith.constant dense<0.000000e+00> : vector<16x128xf32>
    %dot_general3A_141 = tpu.matmul %convert_element_type3A_139, %convert_element_type3A_4, %dot_general3A_140 {dimension_numbers = #tpu.dot_dimension_numbers<[1], [0], [0], [1], [0, 0, 1, 1], [], []>, transpose_lhs_hint = false} : vector<16x128xbf16>, vector<128x128xbf16>, vector<16x128xf32> -> vector<16x128xf32>
    %convert_element_type3A_142 = arith.extf %convert_element_type3A_139 : vector<16x128xbf16> to vector<16x128xf32>
    %reduce_sum3A_143 = arith.constant dense<0.000000e+00> : vector<16xf32>
    %reduce_sum3A_144 = vector.multi_reduction <add>, %convert_element_type3A_142, %reduce_sum3A_143 [1] : vector<16x128xf32> to vector<16xf32>
    %broadcast_in_dim3A_145 = vector.shape_cast %reduce_sum3A_144 : vector<16xf32> to vector<16x1xf32>
    %convert_element_type3A_146 = arith.truncf %broadcast_in_dim3A_145 : vector<16x1xf32> to vector<16x1xbf16>
    %dot_general3A_147 = arith.constant dense<0.000000e+00> : vector<16x1xf32>
    %dot_general3A_148 = tpu.matmul %convert_element_type3A_10, %convert_element_type3A_146, %dot_general3A_147 {dimension_numbers = #tpu.dot_dimension_numbers<[1], [0], [0], [1], [0, 0, 1, 1], [], []>, transpose_lhs_hint = false} : vector<16x16xbf16>, vector<16x1xbf16>, vector<16x1xf32> -> vector<16x1xf32>
    %add3A_149 = vector.broadcast %dot_general3A_148 : vector<16x1xf32> to vector<16x128xf32>
    %add3A_150 = arith.addf %dot_general3A_141, %add3A_149 : vector<16x128xf32>
    %convert_element_type3A_151 = arith.fptosi %add3A_150 : vector<16x128xf32> to vector<16x128xi32>
    %mul3A_152 = arith.constant 256 : i32
    %mul3A_153 = vector.broadcast %mul3A_152 : i32 to vector<1x1xi32>
    %mul3A_154 = arith.muli %mul3A_153, %add3A_133 : vector<1x1xi32>
    %add3A_155 = vector.broadcast %mul3A_154 : vector<1x1xi32> to vector<16x128xi32>
    %add3A_156 = arith.addi %add3A_155, %convert_element_type3A_151 : vector<16x128xi32>
    %jit3A_157 = arith.constant 0 : i32
    %broadcast_in_dim3A_158 = vector.broadcast %jit3A_157 : i32 to vector<16x128xi32>
    %select_n3A_159 = arith.select %eq3A_136, %add3A_156, %broadcast_in_dim3A_158 : vector<16x128xi1>, vector<16x128xi32>
    %add3A_160 = arith.addi %add3A_128, %select_n3A_159 : vector<16x128xi32>
    %le3A_161 = vector.broadcast %add3A_133 : vector<1x1xi32> to vector<1x16xi32>
    %le3A_162 = arith.cmpi sle, %le3A_161, %iota3A_11 : vector<1x16xi32>
    %convert_element_type3A_163 = arith.extui %le3A_162 : vector<1x16xi1> to vector<1x16xi32>
    %add3A_164 = arith.addi %add3A_132, %convert_element_type3A_163 : vector<1x16xi32>
    %swap3A = arith.constant 0 : index
    %swap3A_165 = arith.constant 0 : index
    %swap3A_166 = vector.load %arg1[%swap3A, %swap3A_165] : memref<16x128xi32, #tpu.memory_space<vmem>>, vector<16x128xi32>
    tpu.vector_store %arg1[%swap3A, %swap3A_165], %add3A_160 {strides = array<i32>} : memref<16x128xi32, #tpu.memory_space<vmem>>, vector<16x128xi32>,
    %swap3A_167 = arith.constant 0 : index
    %swap3A_168 = arith.constant 0 : index
    %swap3A_169 = vector.load %arg2[%swap3A_167, %swap3A_168] : memref<1x16xi32, #tpu.memory_space<vmem>>, vector<1x16xi32>
    tpu.vector_store %arg2[%swap3A_167, %swap3A_168], %add3A_164 {strides = array<i32>} : memref<1x16xi32, #tpu.memory_space<vmem>>, vector<1x16xi32>,
    return
  }
}

module attributes {stable_mosaic.version = 14 : i64} {
  func.func @_main_body(%arg0: i32, %arg1: i32, %arg2: memref<11xi32, #tpu.memory_space<smem>>, %arg3: memref<2816x2048xf32, #tpu.memory_space<any>>, %arg4: memref<3072x2048xf32, #tpu.memory_space<any>>, %arg5: memref<1x1024x256xi32, #tpu.memory_space<vmem>>, %arg6: memref<1x1024x1xf32, #tpu.memory_space<vmem>>, %arg7: memref<1x1024xf32, #tpu.memory_space<vmem>>, %arg8: memref<256x1024xf32, #tpu.memory_space<vmem>>, %arg9: memref<256x2048xbf16, #tpu.memory_space<vmem>>, %arg10: memref<3072x2048xbf16, #tpu.memory_space<vmem>>, %arg11: memref<3072x2048xbf16, #tpu.memory_space<vmem>>, %arg12: memref<256x2048xf32, #tpu.memory_space<vmem>>, %arg13: memref<1024x2048xf32, #tpu.memory_space<vmem>>, %arg14: memref<2048x2048xbf16, #tpu.memory_space<vmem>>, %arg15: memref<!tpu.dma_semaphore, #tpu.memory_space<semaphore_mem>>, %arg16: memref<!tpu.dma_semaphore, #tpu.memory_space<semaphore_mem>>) attributes {dimension_semantics = [#tpu.dimension_semantics<arbitrary>, #tpu.dimension_semantics<arbitrary>], iteration_bounds = array<i64: 11, 3>, scalar_prefetch = 1 : i64, scratch_operands = 8 : i64, tpu.core_type = #tpu.core_type<tc>, window_params = [{}, {}, {transform_indices = @transform_2, window_bounds = array<i64: 1, 1024, 256>}, {transform_indices = @transform_3, window_bounds = array<i64: 1, 1024, 1>}, {transform_indices = @transform_4, window_bounds = array<i64: 1, 1024>}, {transform_indices = @transform_5, window_bounds = array<i64: 256, 1024>}]} {
    %eq3A = arith.constant 0 : i32
    %eq3A_0 = arith.cmpi eq, %arg0, %eq3A : i32
    %eq3A_1 = arith.constant 0 : i32
    %eq3A_2 = arith.cmpi eq, %arg1, %eq3A_1 : i32
    %and3A = arith.andi %eq3A_0, %eq3A_2 : i1
    %convert_element_type3A = arith.extui %and3A : i1 to i32
    %cond3A = arith.constant 0 : i32
    %cond3A_3 = arith.cmpi ne, %convert_element_type3A, %cond3A : i32
    scf.if %cond3A_3 {
      %iota3A = tpu.iota {dimensions = array<i32: 0>} : vector<2048x256xi32>
      %iota3A_38 = tpu.iota {dimensions = array<i32: 1>} : vector<2048x256xi32>
      %mul3A_39 = arith.constant 8 : i32
      %mul3A_40 = vector.broadcast %mul3A_39 : i32 to vector<2048x256xi32>
      %mul3A_41 = arith.muli %iota3A_38, %mul3A_40 : vector<2048x256xi32>
      %add3A_42 = arith.constant 0 : i32
      %add3A_43 = vector.broadcast %add3A_42 : i32 to vector<2048x256xi32>
      %add3A_44 = arith.addi %mul3A_41, %add3A_43 : vector<2048x256xi32>
      %eq3A_45 = arith.cmpi eq, %iota3A, %add3A_44 : vector<2048x256xi32>
      %convert_element_type3A_46 = arith.extui %eq3A_45 : vector<2048x256xi1> to vector<2048x256xi32>
      %convert_element_type3A_47 = arith.sitofp %convert_element_type3A_46 : vector<2048x256xi32> to vector<2048x256xf32>
      %convert_element_type3A_48 = arith.truncf %convert_element_type3A_47 : vector<2048x256xf32> to vector<2048x256xbf16>
      %swap3A_49 = arith.constant 0 : index
      %swap3A_50 = arith.constant 0 : index
      %swap3A_51 = vector.load %arg14[%swap3A_49, %swap3A_50] : memref<2048x2048xbf16, #tpu.memory_space<vmem>>, vector<2048x256xbf16>
      tpu.vector_store %arg14[%swap3A_49, %swap3A_50], %convert_element_type3A_48 {strides = array<i32>} : memref<2048x2048xbf16, #tpu.memory_space<vmem>>, vector<2048x256xbf16>,
      %iota3A_52 = tpu.iota {dimensions = array<i32: 0>} : vector<2048x256xi32>
      %iota3A_53 = tpu.iota {dimensions = array<i32: 1>} : vector<2048x256xi32>
      %mul3A_54 = arith.constant 8 : i32
      %mul3A_55 = vector.broadcast %mul3A_54 : i32 to vector<2048x256xi32>
      %mul3A_56 = arith.muli %iota3A_53, %mul3A_55 : vector<2048x256xi32>
      %add3A_57 = arith.constant 1 : i32
      %add3A_58 = vector.broadcast %add3A_57 : i32 to vector<2048x256xi32>
      %add3A_59 = arith.addi %mul3A_56, %add3A_58 : vector<2048x256xi32>
      %eq3A_60 = arith.cmpi eq, %iota3A_52, %add3A_59 : vector<2048x256xi32>
      %convert_element_type3A_61 = arith.extui %eq3A_60 : vector<2048x256xi1> to vector<2048x256xi32>
      %convert_element_type3A_62 = arith.sitofp %convert_element_type3A_61 : vector<2048x256xi32> to vector<2048x256xf32>
      %convert_element_type3A_63 = arith.truncf %convert_element_type3A_62 : vector<2048x256xf32> to vector<2048x256xbf16>
      %swap3A_64 = arith.constant 0 : index
      %swap3A_65 = arith.constant 256 : index
      %swap3A_66 = vector.load %arg14[%swap3A_64, %swap3A_65] : memref<2048x2048xbf16, #tpu.memory_space<vmem>>, vector<2048x256xbf16>
      tpu.vector_store %arg14[%swap3A_64, %swap3A_65], %convert_element_type3A_63 {strides = array<i32>} : memref<2048x2048xbf16, #tpu.memory_space<vmem>>, vector<2048x256xbf16>,
      %iota3A_67 = tpu.iota {dimensions = array<i32: 0>} : vector<2048x256xi32>
      %iota3A_68 = tpu.iota {dimensions = array<i32: 1>} : vector<2048x256xi32>
      %mul3A_69 = arith.constant 8 : i32
      %mul3A_70 = vector.broadcast %mul3A_69 : i32 to vector<2048x256xi32>
      %mul3A_71 = arith.muli %iota3A_68, %mul3A_70 : vector<2048x256xi32>
      %add3A_72 = arith.constant 2 : i32
      %add3A_73 = vector.broadcast %add3A_72 : i32 to vector<2048x256xi32>
      %add3A_74 = arith.addi %mul3A_71, %add3A_73 : vector<2048x256xi32>
      %eq3A_75 = arith.cmpi eq, %iota3A_67, %add3A_74 : vector<2048x256xi32>
      %convert_element_type3A_76 = arith.extui %eq3A_75 : vector<2048x256xi1> to vector<2048x256xi32>
      %convert_element_type3A_77 = arith.sitofp %convert_element_type3A_76 : vector<2048x256xi32> to vector<2048x256xf32>
      %convert_element_type3A_78 = arith.truncf %convert_element_type3A_77 : vector<2048x256xf32> to vector<2048x256xbf16>
      %swap3A_79 = arith.constant 0 : index
      %swap3A_80 = arith.constant 512 : index
      %swap3A_81 = vector.load %arg14[%swap3A_79, %swap3A_80] : memref<2048x2048xbf16, #tpu.memory_space<vmem>>, vector<2048x256xbf16>
      tpu.vector_store %arg14[%swap3A_79, %swap3A_80], %convert_element_type3A_78 {strides = array<i32>} : memref<2048x2048xbf16, #tpu.memory_space<vmem>>, vector<2048x256xbf16>,
      %iota3A_82 = tpu.iota {dimensions = array<i32: 0>} : vector<2048x256xi32>
      %iota3A_83 = tpu.iota {dimensions = array<i32: 1>} : vector<2048x256xi32>
      %mul3A_84 = arith.constant 8 : i32
      %mul3A_85 = vector.broadcast %mul3A_84 : i32 to vector<2048x256xi32>
      %mul3A_86 = arith.muli %iota3A_83, %mul3A_85 : vector<2048x256xi32>
      %add3A_87 = arith.constant 3 : i32
      %add3A_88 = vector.broadcast %add3A_87 : i32 to vector<2048x256xi32>
      %add3A_89 = arith.addi %mul3A_86, %add3A_88 : vector<2048x256xi32>
      %eq3A_90 = arith.cmpi eq, %iota3A_82, %add3A_89 : vector<2048x256xi32>
      %convert_element_type3A_91 = arith.extui %eq3A_90 : vector<2048x256xi1> to vector<2048x256xi32>
      %convert_element_type3A_92 = arith.sitofp %convert_element_type3A_91 : vector<2048x256xi32> to vector<2048x256xf32>
      %convert_element_type3A_93 = arith.truncf %convert_element_type3A_92 : vector<2048x256xf32> to vector<2048x256xbf16>
      %swap3A_94 = arith.constant 0 : index
      %swap3A_95 = arith.constant 768 : index
      %swap3A_96 = vector.load %arg14[%swap3A_94, %swap3A_95] : memref<2048x2048xbf16, #tpu.memory_space<vmem>>, vector<2048x256xbf16>
      tpu.vector_store %arg14[%swap3A_94, %swap3A_95], %convert_element_type3A_93 {strides = array<i32>} : memref<2048x2048xbf16, #tpu.memory_space<vmem>>, vector<2048x256xbf16>,
      %iota3A_97 = tpu.iota {dimensions = array<i32: 0>} : vector<2048x256xi32>
      %iota3A_98 = tpu.iota {dimensions = array<i32: 1>} : vector<2048x256xi32>
      %mul3A_99 = arith.constant 8 : i32
      %mul3A_100 = vector.broadcast %mul3A_99 : i32 to vector<2048x256xi32>
      %mul3A_101 = arith.muli %iota3A_98, %mul3A_100 : vector<2048x256xi32>
      %add3A_102 = arith.constant 4 : i32
      %add3A_103 = vector.broadcast %add3A_102 : i32 to vector<2048x256xi32>
      %add3A_104 = arith.addi %mul3A_101, %add3A_103 : vector<2048x256xi32>
      %eq3A_105 = arith.cmpi eq, %iota3A_97, %add3A_104 : vector<2048x256xi32>
      %convert_element_type3A_106 = arith.extui %eq3A_105 : vector<2048x256xi1> to vector<2048x256xi32>
      %convert_element_type3A_107 = arith.sitofp %convert_element_type3A_106 : vector<2048x256xi32> to vector<2048x256xf32>
      %convert_element_type3A_108 = arith.truncf %convert_element_type3A_107 : vector<2048x256xf32> to vector<2048x256xbf16>
      %swap3A_109 = arith.constant 0 : index
      %swap3A_110 = arith.constant 1024 : index
      %swap3A_111 = vector.load %arg14[%swap3A_109, %swap3A_110] : memref<2048x2048xbf16, #tpu.memory_space<vmem>>, vector<2048x256xbf16>
      tpu.vector_store %arg14[%swap3A_109, %swap3A_110], %convert_element_type3A_108 {strides = array<i32>} : memref<2048x2048xbf16, #tpu.memory_space<vmem>>, vector<2048x256xbf16>,
      %iota3A_112 = tpu.iota {dimensions = array<i32: 0>} : vector<2048x256xi32>
      %iota3A_113 = tpu.iota {dimensions = array<i32: 1>} : vector<2048x256xi32>
      %mul3A_114 = arith.constant 8 : i32
      %mul3A_115 = vector.broadcast %mul3A_114 : i32 to vector<2048x256xi32>
      %mul3A_116 = arith.muli %iota3A_113, %mul3A_115 : vector<2048x256xi32>
      %add3A_117 = arith.constant 5 : i32
      %add3A_118 = vector.broadcast %add3A_117 : i32 to vector<2048x256xi32>
      %add3A_119 = arith.addi %mul3A_116, %add3A_118 : vector<2048x256xi32>
      %eq3A_120 = arith.cmpi eq, %iota3A_112, %add3A_119 : vector<2048x256xi32>
      %convert_element_type3A_121 = arith.extui %eq3A_120 : vector<2048x256xi1> to vector<2048x256xi32>
      %convert_element_type3A_122 = arith.sitofp %convert_element_type3A_121 : vector<2048x256xi32> to vector<2048x256xf32>
      %convert_element_type3A_123 = arith.truncf %convert_element_type3A_122 : vector<2048x256xf32> to vector<2048x256xbf16>
      %swap3A_124 = arith.constant 0 : index
      %swap3A_125 = arith.constant 1280 : index
      %swap3A_126 = vector.load %arg14[%swap3A_124, %swap3A_125] : memref<2048x2048xbf16, #tpu.memory_space<vmem>>, vector<2048x256xbf16>
      tpu.vector_store %arg14[%swap3A_124, %swap3A_125], %convert_element_type3A_123 {strides = array<i32>} : memref<2048x2048xbf16, #tpu.memory_space<vmem>>, vector<2048x256xbf16>,
      %iota3A_127 = tpu.iota {dimensions = array<i32: 0>} : vector<2048x256xi32>
      %iota3A_128 = tpu.iota {dimensions = array<i32: 1>} : vector<2048x256xi32>
      %mul3A_129 = arith.constant 8 : i32
      %mul3A_130 = vector.broadcast %mul3A_129 : i32 to vector<2048x256xi32>
      %mul3A_131 = arith.muli %iota3A_128, %mul3A_130 : vector<2048x256xi32>
      %add3A_132 = arith.constant 6 : i32
      %add3A_133 = vector.broadcast %add3A_132 : i32 to vector<2048x256xi32>
      %add3A_134 = arith.addi %mul3A_131, %add3A_133 : vector<2048x256xi32>
      %eq3A_135 = arith.cmpi eq, %iota3A_127, %add3A_134 : vector<2048x256xi32>
      %convert_element_type3A_136 = arith.extui %eq3A_135 : vector<2048x256xi1> to vector<2048x256xi32>
      %convert_element_type3A_137 = arith.sitofp %convert_element_type3A_136 : vector<2048x256xi32> to vector<2048x256xf32>
      %convert_element_type3A_138 = arith.truncf %convert_element_type3A_137 : vector<2048x256xf32> to vector<2048x256xbf16>
      %swap3A_139 = arith.constant 0 : index
      %swap3A_140 = arith.constant 1536 : index
      %swap3A_141 = vector.load %arg14[%swap3A_139, %swap3A_140] : memref<2048x2048xbf16, #tpu.memory_space<vmem>>, vector<2048x256xbf16>
      tpu.vector_store %arg14[%swap3A_139, %swap3A_140], %convert_element_type3A_138 {strides = array<i32>} : memref<2048x2048xbf16, #tpu.memory_space<vmem>>, vector<2048x256xbf16>,
      %iota3A_142 = tpu.iota {dimensions = array<i32: 0>} : vector<2048x256xi32>
      %iota3A_143 = tpu.iota {dimensions = array<i32: 1>} : vector<2048x256xi32>
      %mul3A_144 = arith.constant 8 : i32
      %mul3A_145 = vector.broadcast %mul3A_144 : i32 to vector<2048x256xi32>
      %mul3A_146 = arith.muli %iota3A_143, %mul3A_145 : vector<2048x256xi32>
      %add3A_147 = arith.constant 7 : i32
      %add3A_148 = vector.broadcast %add3A_147 : i32 to vector<2048x256xi32>
      %add3A_149 = arith.addi %mul3A_146, %add3A_148 : vector<2048x256xi32>
      %eq3A_150 = arith.cmpi eq, %iota3A_142, %add3A_149 : vector<2048x256xi32>
      %convert_element_type3A_151 = arith.extui %eq3A_150 : vector<2048x256xi1> to vector<2048x256xi32>
      %convert_element_type3A_152 = arith.sitofp %convert_element_type3A_151 : vector<2048x256xi32> to vector<2048x256xf32>
      %convert_element_type3A_153 = arith.truncf %convert_element_type3A_152 : vector<2048x256xf32> to vector<2048x256xbf16>
      %swap3A_154 = arith.constant 0 : index
      %swap3A_155 = arith.constant 1792 : index
      %swap3A_156 = vector.load %arg14[%swap3A_154, %swap3A_155] : memref<2048x2048xbf16, #tpu.memory_space<vmem>>, vector<2048x256xbf16>
      tpu.vector_store %arg14[%swap3A_154, %swap3A_155], %convert_element_type3A_153 {strides = array<i32>} : memref<2048x2048xbf16, #tpu.memory_space<vmem>>, vector<2048x256xbf16>,
    } else {
    }
    %eq3A_4 = arith.constant 0 : i32
    %eq3A_5 = arith.cmpi eq, %arg0, %eq3A_4 : i32
    %convert_element_type3A_6 = arith.extui %eq3A_5 : i1 to i32
    %cond3A_7 = arith.constant 0 : i32
    %cond3A_8 = arith.cmpi ne, %convert_element_type3A_6, %cond3A_7 : i32
    scf.if %cond3A_8 {
      %mul3A_38 = arith.constant 1024 : i32
      %mul3A_39 = arith.muli %arg1, %mul3A_38 : i32
      %dma_start3A = arith.constant 0 : i32
      %dma_start3A_40 = tpu.memref_slice %arg4[%mul3A_39, %dma_start3A] : memref<3072x2048xf32, #tpu.memory_space<any>> -> memref<1024x2048xf32, #tpu.memory_space<any>>
      tpu.enqueue_dma source(%dma_start3A_40 : memref<1024x2048xf32, #tpu.memory_space<any>>) target(%arg13 : memref<1024x2048xf32, #tpu.memory_space<vmem>>) target_semaphore(%arg16 : memref<!tpu.dma_semaphore, #tpu.memory_space<semaphore_mem>>)
      %dma_wait3A = arith.constant 0 : i32
      %dma_wait3A_41 = tpu.memref_slice %arg4[%mul3A_39, %dma_wait3A] : memref<3072x2048xf32, #tpu.memory_space<any>> -> memref<1024x2048xf32, #tpu.memory_space<any>>
      tpu.wait_dma2 semaphore(%arg16 : memref<!tpu.dma_semaphore, #tpu.memory_space<semaphore_mem>>) src(%dma_wait3A_41 : memref<1024x2048xf32, #tpu.memory_space<any>>) dst(%arg13 : memref<1024x2048xf32, #tpu.memory_space<vmem>>)
      %get3A_42 = arith.constant 0 : index
      %get3A_43 = arith.constant 0 : index
      %get3A_44 = vector.load %arg13[%get3A_42, %get3A_43] : memref<1024x2048xf32, #tpu.memory_space<vmem>>, vector<1024x2048xf32>
      %convert_element_type3A_45 = arith.truncf %get3A_44 : vector<1024x2048xf32> to vector<1024x2048xbf16>
      %mul3A_46 = arith.constant 1024 : i32
      %mul3A_47 = arith.muli %arg1, %mul3A_46 : i32
      %swap3A_48 = arith.index_cast %mul3A_47 : i32 to index
      %swap3A_49 = arith.constant 0 : index
      %swap3A_50 = vector.load %arg10[%swap3A_48, %swap3A_49] : memref<3072x2048xbf16, #tpu.memory_space<vmem>>, vector<1024x2048xbf16>
      tpu.vector_store %arg10[%swap3A_48, %swap3A_49], %convert_element_type3A_45 {strides = array<i32>} : memref<3072x2048xbf16, #tpu.memory_space<vmem>>, vector<1024x2048xbf16>,
    } else {
    }
    %eq3A_9 = arith.constant 0 : i32
    %eq3A_10 = arith.cmpi eq, %arg1, %eq3A_9 : i32
    %convert_element_type3A_11 = arith.extui %eq3A_10 : i1 to i32
    %cond3A_12 = arith.constant 0 : i32
    %cond3A_13 = arith.cmpi ne, %convert_element_type3A_11, %cond3A_12 : i32
    scf.if %cond3A_13 {
      %mul3A_38 = arith.constant 256 : i32
      %mul3A_39 = arith.muli %arg0, %mul3A_38 : i32
      %dma_start3A = arith.constant 0 : i32
      %dma_start3A_40 = tpu.memref_slice %arg3[%mul3A_39, %dma_start3A] : memref<2816x2048xf32, #tpu.memory_space<any>> -> memref<256x2048xf32, #tpu.memory_space<any>>
      tpu.enqueue_dma source(%dma_start3A_40 : memref<256x2048xf32, #tpu.memory_space<any>>) target(%arg12 : memref<256x2048xf32, #tpu.memory_space<vmem>>) target_semaphore(%arg15 : memref<!tpu.dma_semaphore, #tpu.memory_space<semaphore_mem>>)
      %dma_wait3A = arith.constant 0 : i32
      %dma_wait3A_41 = tpu.memref_slice %arg3[%mul3A_39, %dma_wait3A] : memref<2816x2048xf32, #tpu.memory_space<any>> -> memref<256x2048xf32, #tpu.memory_space<any>>
      tpu.wait_dma2 semaphore(%arg15 : memref<!tpu.dma_semaphore, #tpu.memory_space<semaphore_mem>>) src(%dma_wait3A_41 : memref<256x2048xf32, #tpu.memory_space<any>>) dst(%arg12 : memref<256x2048xf32, #tpu.memory_space<vmem>>)
      %get3A_42 = arith.constant 0 : index
      %get3A_43 = arith.constant 0 : index
      %get3A_44 = vector.load %arg12[%get3A_42, %get3A_43] : memref<256x2048xf32, #tpu.memory_space<vmem>>, vector<256x2048xf32>
      %convert_element_type3A_45 = arith.truncf %get3A_44 : vector<256x2048xf32> to vector<256x2048xbf16>
      %swap3A_46 = arith.constant 0 : index
      %swap3A_47 = arith.constant 0 : index
      %swap3A_48 = vector.load %arg9[%swap3A_46, %swap3A_47] : memref<256x2048xbf16, #tpu.memory_space<vmem>>, vector<256x2048xbf16>
      tpu.vector_store %arg9[%swap3A_46, %swap3A_47], %convert_element_type3A_45 {strides = array<i32>} : memref<256x2048xbf16, #tpu.memory_space<vmem>>, vector<256x2048xbf16>,
    } else {
    }
    %sub3A = arith.constant 1 : i32
    %sub3A_14 = arith.subi %arg0, %sub3A : i32
    %max3A = arith.constant 0 : i32
    %max3A_15 = arith.maxsi %sub3A_14, %max3A : i32
    %get3A = arith.index_cast %max3A_15 : i32 to index
    %get3A_16 = memref.load %arg2[%get3A] : memref<11xi32, #tpu.memory_space<smem>>
    %get3A_17 = arith.index_cast %arg0 : i32 to index
    %get3A_18 = memref.load %arg2[%get3A_17] : memref<11xi32, #tpu.memory_space<smem>>
    %eq3A_19 = arith.constant 0 : i32
    %eq3A_20 = arith.cmpi eq, %arg0, %eq3A_19 : i32
    %ne3A = arith.cmpi ne, %get3A_18, %get3A_16 : i32
    %or3A = arith.ori %eq3A_20, %ne3A : i1
    %convert_element_type3A_21 = arith.extui %or3A : i1 to i32
    %cond3A_22 = arith.constant 0 : i32
    %cond3A_23 = arith.cmpi ne, %convert_element_type3A_21, %cond3A_22 : i32
    scf.if %cond3A_23 {
      %get3A_38 = arith.constant 0 : index
      %get3A_39 = arith.constant 0 : index
      %get3A_40 = arith.constant 0 : index
      %get3A_41 = vector.load %arg5[%get3A_38, %get3A_39, %get3A_40] : memref<1x1024x256xi32, #tpu.memory_space<vmem>>, vector<1x1024x256xi32>
      %get3A_42 = vector.shape_cast %get3A_41 : vector<1x1024x256xi32> to vector<1024x256xi32>
      %convert_element_type3A_43 = arith.sitofp %get3A_42 : vector<1024x256xi32> to vector<1024x256xbf16>
      %mul3A_44 = arith.constant 1024 : i32
      %mul3A_45 = arith.muli %arg1, %mul3A_44 : i32
      %swap3A_46 = arith.index_cast %mul3A_45 : i32 to index
      %swap3A_47 = arith.constant 0 : index
      %swap3A_48 = vector.load %arg11[%swap3A_46, %swap3A_47] : memref<3072x2048xbf16, #tpu.memory_space<vmem>>, vector<1024x256xbf16>
      tpu.vector_store %arg11[%swap3A_46, %swap3A_47], %convert_element_type3A_43 {strides = array<i32>} : memref<3072x2048xbf16, #tpu.memory_space<vmem>>, vector<1024x256xbf16>,
    } else {
    }
    %get3A_24 = arith.constant 0 : index
    %get3A_25 = arith.constant 0 : index
    %get3A_26 = vector.load %arg9[%get3A_24, %get3A_25] : memref<256x2048xbf16, #tpu.memory_space<vmem>>, vector<256x2048xbf16>
    %mul3A = arith.constant 1024 : i32
    %mul3A_27 = arith.muli %arg1, %mul3A : i32
    %get3A_28 = arith.index_cast %mul3A_27 : i32 to index
    %get3A_29 = arith.constant 0 : index
    %get3A_30 = vector.load %arg11[%get3A_28, %get3A_29] : memref<3072x2048xbf16, #tpu.memory_space<vmem>>, vector<1024x2048xbf16>
    %reshape3A = vector.shape_cast %get3A_30 : vector<1024x2048xbf16> to vector<2048x1024xbf16>
    %dot_general3A = arith.constant dense<0.000000e+00> : vector<256x1024xf32>
    %dot_general3A_31 = tpu.matmul %get3A_26, %reshape3A, %dot_general3A {dimension_numbers = #tpu.dot_dimension_numbers<[1], [0], [0], [1], [0, 0, 1, 1], [], []>, transpose_lhs_hint = false} : vector<256x2048xbf16>, vector<2048x1024xbf16>, vector<256x1024xf32> -> vector<256x1024xf32>
    %get3A_32 = arith.constant 0 : index
    %get3A_33 = arith.constant 0 : index
    %get3A_34 = vector.load %arg7[%get3A_32, %get3A_33] : memref<1x1024xf32, #tpu.memory_space<vmem>>, vector<1x1024xf32>
    %add3A = vector.broadcast %get3A_34 : vector<1x1024xf32> to vector<256x1024xf32>
    %add3A_35 = arith.addf %dot_general3A_31, %add3A : vector<256x1024xf32>
    %swap3A = arith.constant 0 : index
    %swap3A_36 = arith.constant 0 : index
    %swap3A_37 = vector.load %arg8[%swap3A, %swap3A_36] : memref<256x1024xf32, #tpu.memory_space<vmem>>, vector<256x1024xf32>
    tpu.vector_store %arg8[%swap3A, %swap3A_36], %add3A_35 {strides = array<i32>} : memref<256x1024xf32, #tpu.memory_space<vmem>>, vector<256x1024xf32>,
    return
  }
  func.func @transform_2(%arg0: i32, %arg1: i32, %arg2: memref<11xi32, #tpu.memory_space<smem>>) -> (i32, i32, i32) {
    %get3A = arith.index_cast %arg0 : i32 to index
    %get3A_0 = memref.load %arg2[%get3A] : memref<11xi32, #tpu.memory_space<smem>>
    %c0_i32 = arith.constant 0 : i32
    %c0_i32_1 = arith.constant 0 : i32
    return %get3A_0, %arg1, %c0_i32 : i32, i32, i32
  }
  func.func @transform_3(%arg0: i32, %arg1: i32, %arg2: memref<11xi32, #tpu.memory_space<smem>>) -> (i32, i32, i32) {
    %get3A = arith.index_cast %arg0 : i32 to index
    %get3A_0 = memref.load %arg2[%get3A] : memref<11xi32, #tpu.memory_space<smem>>
    %c0_i32 = arith.constant 0 : i32
    %c0_i32_1 = arith.constant 0 : i32
    return %get3A_0, %arg1, %c0_i32 : i32, i32, i32
  }
  func.func @transform_4(%arg0: i32, %arg1: i32, %arg2: memref<11xi32, #tpu.memory_space<smem>>) -> (i32, i32) {
    %c0_i32 = arith.constant 0 : i32
    %c0_i32_0 = arith.constant 0 : i32
    return %c0_i32, %arg1 : i32, i32
  }
  func.func @transform_5(%arg0: i32, %arg1: i32, %arg2: memref<11xi32, #tpu.memory_space<smem>>) -> (i32, i32) {
    %c0_i32 = arith.constant 0 : i32
    return %arg0, %arg1 : i32, i32
  }
}

</mosaic_0001>

<sc_bundles>
// kernel: kernel.6.cloned.1.call-start
scs
__scs_entry_jumppad:
0x0: {  	(pc) =	sbr.rel $0x88, $3  }
0x1: {  	(tag) =	ssettag $0x0;
	lr =	simm.s32 $0x1  }
0x2: {  	[smem:$0x3F97] =	sst lr;
	_ =	strace $0xD0000000  }
0x3: {  	_ = 	snop  }
0x4: {  	_ = 	snop  }
0x5: {  	_ = 	snop  }
0x6: {  	_ = 	snop  }
0x7: {  	_ = 	snop  }
__scs_overlays_trampoline_lowered:
0x8: {  	[smem:$0x3FA6] =	sst s0  }
0x9: {  	[smem:$0x3FA7] =	sst s1  }
0xa: {  	[smem:$0x3FA8] =	sst s2  }
0xb: {  	[smem:$0x3FA9] =	sst s3  }
0xc: {  	[smem:$0x3FAA] =	sst s4  }
0xd: {  	[smem:$0x3FAB] =	sst s5  }
0xe: {  	[smem:$0x3FAC] =	sst s6  }
0xf: {  	[smem:$0x3FAD] =	sst s7  }
0x10: {  	[smem:$0x3FAE] =	sst s8  }
0x11: {  	[smem:$0x3FAF] =	sst s9;
	s0 =	simm.s32 @!p0 $0x0  }
0x12: {  	s1 =	sld [smem:$0x3F95];
	s0 =	simm.s32 @p0 $0x1  }
0x13: {  	[smem:$0x3FB0] =	sst s0;
	s0 =	simm.s32 @!p1 $0x0  }
0x14: {  	s2 =	sld [smem:$0x3F94];
	s0 =	simm.s32 @p1 $0x1  }
0x15: {  	[smem:$0x3FB1] =	sst s0;
	s0 =	simm.s32 @!p2 $0x0  }
0x16: {  	s3 =	sld [smem:$0x3FDB];
	s0 =	simm.s32 @p2 $0x1  }
0x17: {  	s4 =	simm.s32 $0x1BF5;
	[smem:$0x3FB3] =	sst s0  }
0x18: {  	s0 =	sld [smem:$0x3F96];
	_ =	swait.ge [sflag:s4], $0x0  }
0x19: {  	s7 =	sld [smem:$0x3F97]  }
0x1a: {  	s8 =	sadd.s32 $0xFFFFE003, lr  }
0x1b: {  	s9 =	sadd.s32 $0xFFFFFEF7, lr;
	s5 =	simm.s32 $0xFFFFFFFF;
	p2 =	slt.u32 s8, $0xFFFFF086  }
0x1c: {  	p1 =	slt.u32 s9, $0xF7A;
	s5 =	simm.s32 @!p2 $0x0  }
0x1d: {  	s5 =	simm.s32 @p1 $0x1;
	p0 =	seq.s32 s7, s2  }
0x1e: {  	s7 =	smul.u32 @!p0 $0xF7A, s2;
	p2 =	seq.s32 @!p0 s5, $0x0  }
0x1f: {  	s9 =	smul.u32 $0xF7A, s1;
	s8 =	simm.s32 @!p0 $0x1BF5;
	p2 =	por !p2, p0  }
0x20: {  	[sflag:s8] =	ssyncset.s32 @!p0 $0xFFFFF086;
	s6 =	sadd.s32 @!p0 s3, s7;
	s7 =	simm.s32 @!p0 $0x108  }
0x21: {  	s3 =	sadd.s32 s3, s9;
	s6 =	sadd.s32 @!p0 $0x88, s6;
	s7 =	simm.s32 @p2 $0x1082  }
0x22: {  	[simem:s7], [sflag:s8] =	dma.local @!p0 [hbm:s6], $0xF7A  }
0x23: {  	s9 =	sor.u32 $0xD0000000, s2;
	s6 =	simm.s32 $0x108;
	_ =	swait.ge @!p0 [sflag:s8], $0x0  }
0x24: {  	s3 =	sadd.s32 $0x88, s3;
	s6 =	simm.s32 @!p1 $0x1082;
	[sflag:s4] =	ssyncset.s32 $0xFFFFF086  }
0x25: {  	[simem:s6], [sflag:s4] =	dma.local [hbm:s3], $0xF7A  }
0x26: {  	[smem:$0x3F97] =	sst s1;
	(tag) =	ssettag s2;
	_ =	strace s9  }
0x27: {  	s1 =	sld [smem:$0x3FA7]  }
0x28: {  	s2 =	sld [smem:$0x3FA8]  }
0x29: {  	s4 =	sld [smem:$0x3FAA]  }
0x2a: {  	p0 =	seq.s32 s5, $0x0;
	s5 =	sld [smem:$0x3FAB]  }
0x2b: {  	s6 =	sld [smem:$0x3FAC]  }
0x2c: {  	s7 =	sld [smem:$0x3FAD]  }
0x2d: {  	s3 =	simm.s32 $0x108;
	s8 =	sld [smem:$0x3FAE]  }
0x2e: {  	s3 =	simm.s32 @!p0 $0x1082;
	s9 =	sld [smem:$0x3FAF]  }
0x2f: {  	lr =	sadd.s32 s0, s3;
	s0 =	sld [smem:$0x3FA6]  }
0x30: {  	s3 =	sld [smem:$0x3FA9]  }
0x31: {  	[smem:$0x3FB2] =	sst s10  }
0x32: {  	s10 =	sld [smem:$0x3FB0];
	_ =	sdelay $0x3  }
0x33: {  	p0 =	seq.s32 s10, $0x1;
	s10 =	sld [smem:$0x3FB2];
	_ =	sdelay $0x3  }
0x34: {  	[smem:$0x3FB2] =	sst s10  }
0x35: {  	s10 =	sld [smem:$0x3FB1];
	_ =	sdelay $0x3  }
0x36: {  	p1 =	seq.s32 s10, $0x1;
	s10 =	sld [smem:$0x3FB2];
	_ =	sdelay $0x3  }
0x37: {  	[smem:$0x3FB2] =	sst s10  }
0x38: {  	s10 =	sld [smem:$0x3FB3]  }
0x39: {  	_ = 	snop;
	(pc) =	sbr.ind lr, $3  }
0x3a: {  	_ = 	snop  }
0x3b: {  	_ = 	snop  }
0x3c: {  	p2 =	seq.s32 s10, $0x1;
	s10 =	sld [smem:$0x3FB2]  }
0x3d: {  	_ =	shalt  }
0x3e: {  	_ =	shalt  }
0x3f: {  	_ =	shalt  }
0x40: {  	_ =	shalt  }
0x41: {  	_ =	shalt  }
0x42: {  	_ =	shalt  }
0x43: {  	_ =	shalt  }
0x44: {  	_ =	shalt  }
0x45: {  	_ =	shalt  }
0x46: {  	_ =	shalt  }
0x47: {  	_ =	shalt  }
0x48: {  	_ =	shalt  }
0x49: {  	_ =	shalt  }
0x4a: {  	_ =	shalt  }
0x4b: {  	_ =	shalt  }
0x4c: {  	_ =	shalt  }
0x4d: {  	_ =	shalt  }
0x4e: {  	_ =	shalt  }
0x4f: {  	_ =	shalt  }
0x50: {  	_ =	shalt  }
0x51: {  	_ =	shalt  }
0x52: {  	_ =	shalt  }
0x53: {  	_ =	shalt  }
0x54: {  	_ =	shalt  }
0x55: {  	_ =	shalt  }
0x56: {  	_ =	shalt  }
0x57: {  	_ =	shalt  }
0x58: {  	_ =	shalt  }
0x59: {  	_ =	shalt  }
0x5a: {  	_ =	shalt  }
0x5b: {  	_ =	shalt  }
0x5c: {  	_ =	shalt  }
0x5d: {  	_ =	shalt  }
0x5e: {  	_ =	shalt  }
0x5f: {  	_ =	shalt  }
0x60: {  	_ =	shalt  }
0x61: {  	_ =	shalt  }
0x62: {  	_ =	shalt  }
0x63: {  	_ =	shalt  }
0x64: {  	_ =	shalt  }
0x65: {  	_ =	shalt  }
0x66: {  	_ =	shalt  }
0x67: {  	_ =	shalt  }
0x68: {  	_ =	shalt  }
0x69: {  	_ =	shalt  }
0x6a: {  	_ =	shalt  }
0x6b: {  	_ =	shalt  }
0x6c: {  	_ =	shalt  }
0x6d: {  	_ =	shalt  }
0x6e: {  	_ =	shalt  }
0x6f: {  	_ =	shalt  }
0x70: {  	_ =	shalt  }
0x71: {  	_ =	shalt  }
0x72: {  	_ =	shalt  }
0x73: {  	_ =	shalt  }
0x74: {  	_ =	shalt  }
0x75: {  	_ =	shalt  }
0x76: {  	_ =	shalt  }
0x77: {  	_ =	shalt  }
0x78: {  	_ =	shalt  }
0x79: {  	_ =	shalt  }
0x7a: {  	_ =	shalt  }
0x7b: {  	_ =	shalt  }
0x7c: {  	_ =	shalt  }
0x7d: {  	_ =	shalt  }
0x7e: {  	_ =	shalt  }
0x7f: {  	_ =	shalt  }
0x80: {  	_ =	shalt  }
0x81: {  	_ =	shalt  }
0x82: {  	_ =	shalt  }
0x83: {  	_ =	shalt  }
0x84: {  	_ =	shalt  }
0x85: {  	_ =	shalt  }
0x86: {  	_ =	shalt  }
0x87: {  	_ =	shalt  }
.Lfunc_end0:
.L_simem_size_0:
called_computation_lowered:
.L_overlay_start_0:
0x88: {  	s2 =	sld [smem:$0x3FD9]  }
0x89: {  	s3 =	sld [smem:$0x3FFE];
	_ =	sdelay $0x1  }
0x8a: {  	s1 =	srdreg.scid  }
0x8b: {  	s0 =	sand.u32 $0x1, s1  }
0x8c: {  	s17 =	sshll.u32 s0, $0xA;
	s2 =	sadd.s32 s3, s2  }
0x8d: {  	s2 =	sadd.s32 s2, s17  }
0x8e: {  	[smem:$0x3FBE] =	sst s2  }
0x8f: {  	_ = 	snop  }
0x90: {  	s2 =	sld [smem:$0x3FC9]  }
0x91: {  	s18 =	sld [smem:$0x3FD0];
	(tm) =	ssettm $0x1  }
0x92: {  	s4 =	sld [smem:$0x3FFB];
	_ =	sdelay $0x3  }
0x93: {  	_ =	strace s4  }
0x94: {  	s4 =	sld [smem:$0x3FFC];
	_ =	sdelay $0x3  }
0x95: {  	_ =	strace s4  }
0x96: {  	s4 =	sld [smem:$0x3FFD];
	_ =	sdelay $0x3  }
0x97: {  	_ =	strace s4  }
0x98: {  	_ =	strace $0x8FFFFFFF  }
0x99: {  	s19 =	sld [smem:$0x3FDB];
	_ =	sdelay $0x1  }
0x9a: {  	s5 =	simm.s32 $_scs_section_size  }
0x9b: {  	s6 =	simm.s32 $_size__tile_overlayer_lowered;
	s7 =	simm.s32 $_tile_overlayer_lowered  }
0x9c: {  	s22 =	simm.s32 $0x1BFF;
	s21 =	sshll.u32 s7, $0x1;
	s4 =	sadd.s32 s5, s19  }
0x9d: {  	s8 =	simm.s32 $0x0;
	s20 =	sshll.u32 s6, $0x1;
	s6 =	sadd.s32 s21, s4  }
0x9e: {  	[timem:s8], [sflag:s22] =	dma.local [hbm:s6], s20  }
0x9f: {  	_ =	swait.ge [sflag:s22], s20  }
0xa0: {  	s5 =	ssub.s32 $0x0, s20;
	[sflag:s22] =	ssyncset.done $0x0  }
0xa1: {  	[sflag:s22] =	ssyncadd.s32 s5;
	_ =	sdelay $0x1  }
0xa2: {  	s23 =	simm.s32 $0x1B8B  }
0xa3: {  	_ =	swait.ge [sflag:s23], $0x1  }
0xa4: {  	[sflag:s23] =	ssyncset.done $0x0  }
0xa5: {  	s25 =	simm.s32 $0x1B8E;
	s24 =	sld [smem:$0x3FFE];
	[sflag:s23] =	ssyncadd.s32 $0xFFFFFFFF  }
0xa6: {  	s26 =	simm.s32 $execute0_lowered;
	[smem:$0x3FD2] =	sst s25  }
0xa7: {  	s6 =	sshll.u32 s26, $0x1;
	_ =	strace $0x80000046;
	[dreg:$0x1] =	wrdreg $0xFFFFFFFF  }
0xa8: {  	s28 =	simm.s32 $_size_execute0_lowered;
	s4 =	sadd.s32 s4, s6;
	[dreg:$0x0] =	wrdreg $0x0  }
0xa9: {  	s6 =	sshll.u32 s28, $0x1;
	[dreg:$0x2] =	wrdreg s4  }
0xaa: {  	[dreg:$0x3] =	wrdreg s6  }
0xab: {  	[dreg:$0x4] =	wrdreg $0xC0  }
0xac: {  	_ =	task [dreg:s8], $0x5FFFF  }
0xad: {  	[dreg:$0x1] =	wrdreg $0xFFFFFFFF  }
0xae: {  	[dreg:$0x0] =	wrdreg $0x60  }
0xaf: {  	[dreg:$0x2] =	wrdreg s2  }
0xb0: {  	[dreg:$0x3] =	wrdreg s24  }
0xb1: {  	[dreg:$0x4] =	wrdreg s18  }
0xb2: {  	[dreg:$0x5] =	wrdreg $0x9  }
0xb3: {  	_ =	task.clear_ibuf [dreg:s8], $0x6FFFF;
	_ =	strace $0x90000046  }
0xb4: {  	s29 =	simm.s32 $0x9;
	_ =	strace $0x80000048  }
0xb5: {  	_ =	swait.ge [sflag:s29], $0x1  }
0xb6: {  	[sflag:s29] =	ssyncadd.s32 $0xFFFFFFFF  }
0xb7: {  	_ =	strace $0x90000048  }
0xb8: {  	_ =	sfence  }
0xb9: {  	s30 =	sld [smem:$0x0];
	_ =	sdelay $0x2  }
0xba: {  	s31 =	sshll.u32 s1, $0xD;
	s1 =	sshrl.u32 s1, $0x2  }
0xbb: {  	s3 =	sand.u32 $0x4000, s31;
	s1 =	sadd.s32 s1, s30  }
0xbc: {  	s0 =	sor.u32 s3, s0;
	s1 =	sshll.u32 s1, $0x11  }
0xbd: {  	s0 =	sor.u32 s1, s0  }
0xbe: {  	s0 =	sadd.s32 $0x8F2B, s0  }
0xbf: {  	[sflag:s0] =	ssyncadd.remote.s32 $0x1  }
0xc0: {  	_ =	sfence.sel $0xFFFF  }
0xc1: {  	[dreg:$0x0] =	wrdreg $0xFFFFFFFF;
	(pc) =	sbr.abs _section_cstart, $3  }
0xc2: {  	[dreg:$0x1] =	wrdreg $0xFFFFFFFF  }
0xc3: {  	_ =	task.clear_ibuf [dreg:s8], $0x2FFFF;
	_ =	strace $0x9FFFFFFF  }
0xc4: {  	(tm) =	ssettm $0x7FFFFFFF  }
0xc5: {  	_ =	shalt  }
tec
execute0_lowered:
.L_overlay_start_1:
0x0: {  	(tag) =	ssettag $0x1  }
0x1: {  	s0 =	rddreg [dreg:$0x0]  }
0x2: {  	s1 =	rddreg [dreg:$0x1]  }
0x3: {  	s2 =	rddreg [dreg:$0x2];
	s3 =	srdreg.scid  }
0x4: {  	s6 =	stileid.u32;
	s29 =	simm.s32 $0x880;
	s30 =	simm.s32 $0x1080  }
0x5: {  	s31 =	simm.s32 $0x1880;
	s14 =	simm.s32 $0x3080;
	s15 =	simm.s32 $0x3880  }
0x6: {  	s16 =	simm.s32 $0x4080;
	s17 =	simm.s32 $0x4880;
	s18 =	simm.s32 $0x5080  }
0x7: {  	s19 =	simm.s32 $0x5880;
	s20 =	simm.s32 $0x6080;
	s21 =	simm.s32 $0x6880  }
0x8: {  	s22 =	simm.s32 $0x7080;
	s23 =	simm.s32 $0x7880;
	s24 =	simm.s32 $0x8080  }
0x9: {  	s25 =	simm.s32 $0x8880;
	s13 =	simm.s32 $0x9080;
	s4 =	sand.u32 $0x1, s3  }
0xa: {  	s3 =	simm.s32 $0x0;
	s6 =	sshll.u32 s6, $0x6;
	s1 =	sadd.s32 $0x2200, s1  }
0xb: {  	s9 =	sadd.s32 $0x600, s2;
	s5 =	sshll.u32 s4, $0xA;
	[smem:$0x7FF] =	sst s3  }
0xc: {  	s4 =	ssub.s32 $0x2, s4;
	s7 =	sor.u32 s6, s5;
	_ =	strace $0x80000047  }
0xd: {  	s8 =	sshrl.u32 s4, $0x1;
	s5 =	sshrl.u32 s7, $0x3;
	s6 =	sshll.u32 s7, $0x8  }
0xe: {  	s11 =	ssub.s32 s4, s8;
	s4 =	sadd.s32 $0x100, s2;
	s10 =	sor.u32 $0x20, s7  }
0xf: {  	s7 =	sadd.s32 $0x400, s2;
	s8 =	sadd.s32 $0x500, s2;
	s5 =	sadd.s32 s1, s5  }
0x10: {  	s26 =	sadd.s32 s0, s6;
	s6 =	sadd.s32 $0x300, s2;
	s12 =	sshrl.u32 s10, $0x3  }
0x11: {  	s28 =	sshll.u32 s10, $0x8;
	s10 =	sadd.s32 $0x700, s2;
	[dreg:$0x4] =	wrdreg s5  }
0x12: {  	v2 =	vlaneseq.u32;
	s11 =	smax.u32 s11, $0x1;
	[dreg:$0x5] =	wrdreg s26;
	s1 =	sadd.s32 s1, s12  }
0x13: {  	vm0 =	vmmov $0xffff;
	v1 =	vshrl.u32 v2, $0x3;
	s5 =	sadd.s32 $0x200, s2;
	s0 =	sadd.s32 s0, s28;
	[dreg:$0x6] =	wrdreg s1  }
0x14: {  	v0 =	vand.u32 $0x7, v2;
	v2 =	vor.u32 $0x8, v2;
	v1 =	vmul.u32 $0x8, v1;
	s12 =	simm.s32 $0x2;
	s26 =	simm.s32 $0x1;
	[dreg:$0x7] =	wrdreg s0  }
.LBB2_1:
0x15: {  	s28 =	rddreg [dreg:$0x4]  }
0x16: {  	[tilespmem:s3], [sflag:$0x2] =	stream.linear.gather [hbm4b:s28+s3], $0x20, $0x38;
	[tilespmem:$0x10080] =	vst v63  }
0x17: {  	_ =	swait.ge [sflag:s12], $0x20  }
0x18: {  	[sflag:s12] =	ssyncset.done $0x0  }
0x19: {  	s0 =	simm.s32 $0x80;
	s1 =	rddreg [dreg:$0x5];
	[sflag:s12] =	ssyncadd.s32 $0xFFFFFFE0  }
0x1a: {  	[tilespmem:s0], [sflag:$0x2] =	stream.linear.gather [hbm4b:s1+s3], $0x10000, $0x38;
	[tilespmem:$0x10080] =	vst v63  }
0x1b: {  	_ =	swait.ge [sflag:s12], $0x10000  }
0x1c: {  	[sflag:s12] =	ssyncset.done $0x0  }
0x1d: {  	[sflag:s12] =	ssyncadd.s32 $0xFFFF0000  }
0x1e: {  	v3 =	vld [tilespmem:$0x0];
	_ =	sdelay $0x4  }
0x1f: {  	v4 =	vshll.u32 v3, $0x4  }
0x20: {  	v3 =	vand.u32 $0x7, v3;
	v4 =	vand.u32 $0xFFFFFF80, v4  }
0x21: {  	v3 =	vor.u32 v3, v4  }
0x22: {  	v4 =	vperm.xlane v3, v0;
	_ =	sdelay $0x1  }
0x23: {  	v4 =	vadd.s32 v1, v4;
	_ =	sdelay $0x4  }
0x24: {  	[hbm4b:s2+s3] =	stream.indirect_vreg.scatter [tilespmem:s0], [sflag:$0x1], $0x80, v4, vm0, $0xb8;
	[tilespmem:$0x10080] =	vst v63  }
0x25: {  	_ = 	snop  }
0x26: {  	[hbm4b:s4+s3] =	stream.indirect_vreg.scatter [tilespmem:s29], [sflag:$0x1], $0x80, v4, vm0, $0xb8;
	[tilespmem:$0x10080] =	vst v63  }
0x27: {  	_ = 	snop  }
0x28: {  	[hbm4b:s5+s3] =	stream.indirect_vreg.scatter [tilespmem:s30], [sflag:$0x1], $0x80, v4, vm0, $0xb8;
	[tilespmem:$0x10080] =	vst v63  }
0x29: {  	_ = 	snop  }
0x2a: {  	[hbm4b:s6+s3] =	stream.indirect_vreg.scatter [tilespmem:s31], [sflag:$0x1], $0x80, v4, vm0, $0xb8;
	[tilespmem:$0x10080] =	vst v63  }
0x2b: {  	s1 =	simm.s32 $0x2080  }
0x2c: {  	[hbm4b:s7+s3] =	stream.indirect_vreg.scatter [tilespmem:s1], [sflag:$0x1], $0x80, v4, vm0, $0xb8;
	[tilespmem:$0x10080] =	vst v63  }
0x2d: {  	v3 =	vperm.xlane v3, v2;
	s1 =	simm.s32 $0x2880  }
0x2e: {  	[hbm4b:s8+s3] =	stream.indirect_vreg.scatter [tilespmem:s1], [sflag:$0x1], $0x80, v4, vm0, $0xb8;
	[tilespmem:$0x10080] =	vst v63  }
0x2f: {  	v3 =	vadd.s32 v1, v3  }
0x30: {  	[hbm4b:s9+s3] =	stream.indirect_vreg.scatter [tilespmem:s14], [sflag:$0x1], $0x80, v4, vm0, $0xb8;
	[tilespmem:$0x10080] =	vst v63  }
0x31: {  	_ = 	snop  }
0x32: {  	[hbm4b:s10+s3] =	stream.indirect_vreg.scatter [tilespmem:s15], [sflag:$0x1], $0x80, v4, vm0, $0xb8;
	[tilespmem:$0x10080] =	vst v63  }
0x33: {  	_ = 	snop  }
0x34: {  	[hbm4b:s2+s3] =	stream.indirect_vreg.scatter [tilespmem:s16], [sflag:$0x1], $0x80, v3, vm0, $0xb8;
	[tilespmem:$0x10080] =	vst v63  }
0x35: {  	_ = 	snop  }
0x36: {  	[hbm4b:s4+s3] =	stream.indirect_vreg.scatter [tilespmem:s17], [sflag:$0x1], $0x80, v3, vm0, $0xb8;
	[tilespmem:$0x10080] =	vst v63  }
0x37: {  	_ = 	snop  }
0x38: {  	[hbm4b:s5+s3] =	stream.indirect_vreg.scatter [tilespmem:s18], [sflag:$0x1], $0x80, v3, vm0, $0xb8;
	[tilespmem:$0x10080] =	vst v63  }
0x39: {  	_ = 	snop  }
0x3a: {  	[hbm4b:s6+s3] =	stream.indirect_vreg.scatter [tilespmem:s19], [sflag:$0x1], $0x80, v3, vm0, $0xb8;
	[tilespmem:$0x10080] =	vst v63  }
0x3b: {  	_ = 	snop  }
0x3c: {  	[hbm4b:s7+s3] =	stream.indirect_vreg.scatter [tilespmem:s20], [sflag:$0x1], $0x80, v3, vm0, $0xb8;
	[tilespmem:$0x10080] =	vst v63  }
0x3d: {  	_ = 	snop  }
0x3e: {  	[hbm4b:s8+s3] =	stream.indirect_vreg.scatter [tilespmem:s21], [sflag:$0x1], $0x80, v3, vm0, $0xb8;
	[tilespmem:$0x10080] =	vst v63  }
0x3f: {  	_ = 	snop  }
0x40: {  	[hbm4b:s9+s3] =	stream.indirect_vreg.scatter [tilespmem:s22], [sflag:$0x1], $0x80, v3, vm0, $0xb8;
	[tilespmem:$0x10080] =	vst v63  }
0x41: {  	_ = 	snop  }
0x42: {  	[hbm4b:s10+s3] =	stream.indirect_vreg.scatter [tilespmem:s23], [sflag:$0x1], $0x80, v3, vm0, $0xb8;
	[tilespmem:$0x10080] =	vst v63  }
0x43: {  	v3 =	vld [tilespmem:$0x10];
	_ =	sdelay $0x4  }
0x44: {  	v61 =	vshll.u32 v3, $0x4  }
0x45: {  	v3 =	vand.u32 $0x7, v3;
	v4 =	vand.u32 $0xFFFFFF80, v61  }
0x46: {  	v3 =	vor.u32 v3, v4  }
0x47: {  	v4 =	vperm.xlane v3, v0;
	_ =	sdelay $0x1  }
0x48: {  	v4 =	vadd.s32 v1, v4;
	_ =	sdelay $0x4  }
0x49: {  	[hbm4b:s2+s3] =	stream.indirect_vreg.scatter [tilespmem:s24], [sflag:$0x1], $0x80, v4, vm0, $0xb8;
	[tilespmem:$0x10080] =	vst v63  }
0x4a: {  	_ = 	snop  }
0x4b: {  	[hbm4b:s4+s3] =	stream.indirect_vreg.scatter [tilespmem:s25], [sflag:$0x1], $0x80, v4, vm0, $0xb8;
	[tilespmem:$0x10080] =	vst v63  }
0x4c: {  	_ = 	snop  }
0x4d: {  	[hbm4b:s5+s3] =	stream.indirect_vreg.scatter [tilespmem:s13], [sflag:$0x1], $0x80, v4, vm0, $0xb8;
	[tilespmem:$0x10080] =	vst v63  }
0x4e: {  	s28 =	simm.s32 $0x9880  }
0x4f: {  	[hbm4b:s6+s3] =	stream.indirect_vreg.scatter [tilespmem:s28], [sflag:$0x1], $0x80, v4, vm0, $0xb8;
	[tilespmem:$0x10080] =	vst v63  }
0x50: {  	s28 =	simm.s32 $0xA080  }
0x51: {  	[hbm4b:s7+s3] =	stream.indirect_vreg.scatter [tilespmem:s28], [sflag:$0x1], $0x80, v4, vm0, $0xb8;
	[tilespmem:$0x10080] =	vst v63  }
0x52: {  	v3 =	vperm.xlane v3, v2;
	s28 =	simm.s32 $0xA880  }
0x53: {  	[hbm4b:s8+s3] =	stream.indirect_vreg.scatter [tilespmem:s28], [sflag:$0x1], $0x80, v4, vm0, $0xb8;
	[tilespmem:$0x10080] =	vst v63  }
0x54: {  	v3 =	vadd.s32 v1, v3;
	s28 =	simm.s32 $0xB080  }
0x55: {  	[hbm4b:s9+s3] =	stream.indirect_vreg.scatter [tilespmem:s28], [sflag:$0x1], $0x80, v4, vm0, $0xb8;
	[tilespmem:$0x10080] =	vst v63  }
0x56: {  	s28 =	simm.s32 $0xB880  }
0x57: {  	[hbm4b:s10+s3] =	stream.indirect_vreg.scatter [tilespmem:s28], [sflag:$0x1], $0x80, v4, vm0, $0xb8;
	[tilespmem:$0x10080] =	vst v63  }
0x58: {  	s28 =	simm.s32 $0xC080  }
0x59: {  	[hbm4b:s2+s3] =	stream.indirect_vreg.scatter [tilespmem:s28], [sflag:$0x1], $0x80, v3, vm0, $0xb8;
	[tilespmem:$0x10080] =	vst v63  }
0x5a: {  	s28 =	simm.s32 $0xC880  }
0x5b: {  	[hbm4b:s4+s3] =	stream.indirect_vreg.scatter [tilespmem:s28], [sflag:$0x1], $0x80, v3, vm0, $0xb8;
	[tilespmem:$0x10080] =	vst v63  }
0x5c: {  	s28 =	simm.s32 $0xD080  }
0x5d: {  	[hbm4b:s5+s3] =	stream.indirect_vreg.scatter [tilespmem:s28], [sflag:$0x1], $0x80, v3, vm0, $0xb8;
	[tilespmem:$0x10080] =	vst v63  }
0x5e: {  	s28 =	simm.s32 $0xD880  }
0x5f: {  	[hbm4b:s6+s3] =	stream.indirect_vreg.scatter [tilespmem:s28], [sflag:$0x1], $0x80, v3, vm0, $0xb8;
	[tilespmem:$0x10080] =	vst v63  }
0x60: {  	s28 =	simm.s32 $0xE080  }
0x61: {  	[hbm4b:s7+s3] =	stream.indirect_vreg.scatter [tilespmem:s28], [sflag:$0x1], $0x80, v3, vm0, $0xb8;
	[tilespmem:$0x10080] =	vst v63  }
0x62: {  	s28 =	simm.s32 $0xE880  }
0x63: {  	[hbm4b:s8+s3] =	stream.indirect_vreg.scatter [tilespmem:s28], [sflag:$0x1], $0x80, v3, vm0, $0xb8;
	[tilespmem:$0x10080] =	vst v63  }
0x64: {  	s28 =	simm.s32 $0xF080  }
0x65: {  	[hbm4b:s9+s3] =	stream.indirect_vreg.scatter [tilespmem:s28], [sflag:$0x1], $0x80, v3, vm0, $0xb8;
	[tilespmem:$0x10080] =	vst v63  }
0x66: {  	s28 =	simm.s32 $0xF880  }
0x67: {  	[hbm4b:s10+s3] =	stream.indirect_vreg.scatter [tilespmem:s28], [sflag:$0x1], $0x80, v3, vm0, $0xb8;
	[tilespmem:$0x10080] =	vst v63  }
0x68: {  	_ =	swait.ge [sflag:s26], $0x10000  }
0x69: {  	[sflag:s26] =	ssyncset.done $0x0  }
0x6a: {  	s28 =	rddreg [dreg:$0x6];
	[sflag:s26] =	ssyncadd.s32 $0xFFFF0000  }
0x6b: {  	[tilespmem:s3], [sflag:$0x2] =	stream.linear.gather [hbm4b:s28+s3], $0x20, $0x38;
	[tilespmem:$0x10080] =	vst v63  }
0x6c: {  	_ =	swait.ge [sflag:s12], $0x20  }
0x6d: {  	[sflag:s12] =	ssyncset.done $0x0  }
0x6e: {  	s28 =	rddreg [dreg:$0x7];
	[sflag:s12] =	ssyncadd.s32 $0xFFFFFFE0  }
0x6f: {  	[tilespmem:s0], [sflag:$0x2] =	stream.linear.gather [hbm4b:s28+s3], $0x10000, $0x38;
	[tilespmem:$0x10080] =	vst v63  }
0x70: {  	_ =	swait.ge [sflag:s12], $0x10000  }
0x71: {  	[sflag:s12] =	ssyncset.done $0x0  }
0x72: {  	[sflag:s12] =	ssyncadd.s32 $0xFFFF0000  }
0x73: {  	v3 =	vld [tilespmem:$0x0];
	_ =	sdelay $0x4  }
0x74: {  	v62 =	vshll.u32 v3, $0x4  }
0x75: {  	v3 =	vand.u32 $0x7, v3;
	v4 =	vand.u32 $0xFFFFFF80, v62  }
0x76: {  	v3 =	vor.u32 v3, v4  }
0x77: {  	v4 =	vperm.xlane v3, v0;
	_ =	sdelay $0x1  }
0x78: {  	v4 =	vadd.s32 v1, v4;
	_ =	sdelay $0x4  }
0x79: {  	[hbm4b:s2+s3] =	stream.indirect_vreg.scatter [tilespmem:s0], [sflag:$0x1], $0x80, v4, vm0, $0xb8;
	[tilespmem:$0x10080] =	vst v63  }
0x7a: {  	_ = 	snop  }
0x7b: {  	[hbm4b:s4+s3] =	stream.indirect_vreg.scatter [tilespmem:s29], [sflag:$0x1], $0x80, v4, vm0, $0xb8;
	[tilespmem:$0x10080] =	vst v63  }
0x7c: {  	_ = 	snop  }
0x7d: {  	[hbm4b:s5+s3] =	stream.indirect_vreg.scatter [tilespmem:s30], [sflag:$0x1], $0x80, v4, vm0, $0xb8;
	[tilespmem:$0x10080] =	vst v63  }
0x7e: {  	_ = 	snop  }
0x7f: {  	[hbm4b:s6+s3] =	stream.indirect_vreg.scatter [tilespmem:s31], [sflag:$0x1], $0x80, v4, vm0, $0xb8;
	[tilespmem:$0x10080] =	vst v63  }
0x80: {  	s28 =	simm.s32 $0x2080  }
0x81: {  	[hbm4b:s7+s3] =	stream.indirect_vreg.scatter [tilespmem:s28], [sflag:$0x1], $0x80, v4, vm0, $0xb8;
	[tilespmem:$0x10080] =	vst v63  }
0x82: {  	v3 =	vperm.xlane v3, v2  }
0x83: {  	[hbm4b:s8+s3] =	stream.indirect_vreg.scatter [tilespmem:s1], [sflag:$0x1], $0x80, v4, vm0, $0xb8;
	[tilespmem:$0x10080] =	vst v63  }
0x84: {  	v3 =	vadd.s32 v1, v3  }
0x85: {  	[hbm4b:s9+s3] =	stream.indirect_vreg.scatter [tilespmem:s14], [sflag:$0x1], $0x80, v4, vm0, $0xb8;
	[tilespmem:$0x10080] =	vst v63  }
0x86: {  	_ = 	snop  }
0x87: {  	[hbm4b:s10+s3] =	stream.indirect_vreg.scatter [tilespmem:s15], [sflag:$0x1], $0x80, v4, vm0, $0xb8;
	[tilespmem:$0x10080] =	vst v63  }
0x88: {  	_ = 	snop  }
0x89: {  	[hbm4b:s2+s3] =	stream.indirect_vreg.scatter [tilespmem:s16], [sflag:$0x1], $0x80, v3, vm0, $0xb8;
	[tilespmem:$0x10080] =	vst v63  }
0x8a: {  	_ = 	snop  }
0x8b: {  	[hbm4b:s4+s3] =	stream.indirect_vreg.scatter [tilespmem:s17], [sflag:$0x1], $0x80, v3, vm0, $0xb8;
	[tilespmem:$0x10080] =	vst v63  }
0x8c: {  	_ = 	snop  }
0x8d: {  	[hbm4b:s5+s3] =	stream.indirect_vreg.scatter [tilespmem:s18], [sflag:$0x1], $0x80, v3, vm0, $0xb8;
	[tilespmem:$0x10080] =	vst v63  }
0x8e: {  	_ = 	snop  }
0x8f: {  	[hbm4b:s6+s3] =	stream.indirect_vreg.scatter [tilespmem:s19], [sflag:$0x1], $0x80, v3, vm0, $0xb8;
	[tilespmem:$0x10080] =	vst v63  }
0x90: {  	_ = 	snop  }
0x91: {  	[hbm4b:s7+s3] =	stream.indirect_vreg.scatter [tilespmem:s20], [sflag:$0x1], $0x80, v3, vm0, $0xb8;
	[tilespmem:$0x10080] =	vst v63  }
0x92: {  	_ = 	snop  }
0x93: {  	[hbm4b:s8+s3] =	stream.indirect_vreg.scatter [tilespmem:s21], [sflag:$0x1], $0x80, v3, vm0, $0xb8;
	[tilespmem:$0x10080] =	vst v63  }
0x94: {  	_ = 	snop  }
0x95: {  	[hbm4b:s9+s3] =	stream.indirect_vreg.scatter [tilespmem:s22], [sflag:$0x1], $0x80, v3, vm0, $0xb8;
	[tilespmem:$0x10080] =	vst v63  }
0x96: {  	_ = 	snop  }
0x97: {  	[hbm4b:s10+s3] =	stream.indirect_vreg.scatter [tilespmem:s23], [sflag:$0x1], $0x80, v3, vm0, $0xb8;
	[tilespmem:$0x10080] =	vst v63  }
0x98: {  	v3 =	vld [tilespmem:$0x10];
	_ =	sdelay $0x4  }
0x99: {  	v63 =	vshll.u32 v3, $0x4  }
0x9a: {  	v3 =	vand.u32 $0x7, v3;
	v4 =	vand.u32 $0xFFFFFF80, v63  }
0x9b: {  	v3 =	vor.u32 v3, v4  }
0x9c: {  	v4 =	vperm.xlane v3, v0;
	_ =	sdelay $0x1  }
0x9d: {  	v4 =	vadd.s32 v1, v4;
	_ =	sdelay $0x4  }
0x9e: {  	[hbm4b:s2+s3] =	stream.indirect_vreg.scatter [tilespmem:s24], [sflag:$0x1], $0x80, v4, vm0, $0xb8;
	[tilespmem:$0x10080] =	vst v63  }
0x9f: {  	_ = 	snop  }
0xa0: {  	[hbm4b:s4+s3] =	stream.indirect_vreg.scatter [tilespmem:s25], [sflag:$0x1], $0x80, v4, vm0, $0xb8;
	[tilespmem:$0x10080] =	vst v63  }
0xa1: {  	_ = 	snop  }
0xa2: {  	[hbm4b:s5+s3] =	stream.indirect_vreg.scatter [tilespmem:s13], [sflag:$0x1], $0x80, v4, vm0, $0xb8;
	[tilespmem:$0x10080] =	vst v63  }
0xa3: {  	s28 =	simm.s32 $0x9880  }
0xa4: {  	[hbm4b:s6+s3] =	stream.indirect_vreg.scatter [tilespmem:s28], [sflag:$0x1], $0x80, v4, vm0, $0xb8;
	[tilespmem:$0x10080] =	vst v63  }
0xa5: {  	s1 =	simm.s32 $0xA080  }
0xa6: {  	[hbm4b:s7+s3] =	stream.indirect_vreg.scatter [tilespmem:s1], [sflag:$0x1], $0x80, v4, vm0, $0xb8;
	[tilespmem:$0x10080] =	vst v63  }
0xa7: {  	v3 =	vperm.xlane v3, v2;
	s28 =	simm.s32 $0xA880  }
0xa8: {  	[hbm4b:s8+s3] =	stream.indirect_vreg.scatter [tilespmem:s28], [sflag:$0x1], $0x80, v4, vm0, $0xb8;
	[tilespmem:$0x10080] =	vst v63  }
0xa9: {  	v3 =	vadd.s32 v1, v3;
	s1 =	simm.s32 $0xB080  }
0xaa: {  	[hbm4b:s9+s3] =	stream.indirect_vreg.scatter [tilespmem:s1], [sflag:$0x1], $0x80, v4, vm0, $0xb8;
	[tilespmem:$0x10080] =	vst v63  }
0xab: {  	s28 =	simm.s32 $0xB880  }
0xac: {  	[hbm4b:s10+s3] =	stream.indirect_vreg.scatter [tilespmem:s28], [sflag:$0x1], $0x80, v4, vm0, $0xb8;
	[tilespmem:$0x10080] =	vst v63  }
0xad: {  	s1 =	simm.s32 $0xC080  }
0xae: {  	[hbm4b:s2+s3] =	stream.indirect_vreg.scatter [tilespmem:s1], [sflag:$0x1], $0x80, v3, vm0, $0xb8;
	[tilespmem:$0x10080] =	vst v63  }
0xaf: {  	s28 =	simm.s32 $0xC880  }
0xb0: {  	[hbm4b:s4+s3] =	stream.indirect_vreg.scatter [tilespmem:s28], [sflag:$0x1], $0x80, v3, vm0, $0xb8;
	[tilespmem:$0x10080] =	vst v63  }
0xb1: {  	s1 =	simm.s32 $0xD080  }
0xb2: {  	[hbm4b:s5+s3] =	stream.indirect_vreg.scatter [tilespmem:s1], [sflag:$0x1], $0x80, v3, vm0, $0xb8;
	[tilespmem:$0x10080] =	vst v63  }
0xb3: {  	s28 =	simm.s32 $0xD880  }
0xb4: {  	[hbm4b:s6+s3] =	stream.indirect_vreg.scatter [tilespmem:s28], [sflag:$0x1], $0x80, v3, vm0, $0xb8;
	[tilespmem:$0x10080] =	vst v63  }
0xb5: {  	s1 =	simm.s32 $0xE080  }
0xb6: {  	[hbm4b:s7+s3] =	stream.indirect_vreg.scatter [tilespmem:s1], [sflag:$0x1], $0x80, v3, vm0, $0xb8;
	[tilespmem:$0x10080] =	vst v63  }
0xb7: {  	s28 =	simm.s32 $0xE880  }
0xb8: {  	[hbm4b:s8+s3] =	stream.indirect_vreg.scatter [tilespmem:s28], [sflag:$0x1], $0x80, v3, vm0, $0xb8;
	[tilespmem:$0x10080] =	vst v63  }
0xb9: {  	p0 =	sne.s32 s11, $0x1;
	s1 =	simm.s32 $0xF080  }
0xba: {  	[hbm4b:s9+s3] =	stream.indirect_vreg.scatter [tilespmem:s1], [sflag:$0x1], $0x80, v3, vm0, $0xb8;
	[tilespmem:$0x10080] =	vst v63  }
.Ltmp0:
0xbb: {  	s28 =	simm.s32 $0xF880;
	(pc) =	sbr.rel @p0 .LBB2_1-.Ltmp0, $4  }
0xbc: {  	[hbm4b:s10+s3] =	stream.indirect_vreg.scatter [tilespmem:s28], [sflag:$0x1], $0x80, v3, vm0, $0xb8;
	[tilespmem:$0x10080] =	vst v63  }
0xbd: {  	_ =	swait.ge [sflag:s26], $0x10000  }
0xbe: {  	[sflag:s26] =	ssyncset.done $0x0  }
0xbf: {  	s11 =	sadd.s32 $0xFFFFFFFF, s11;
	[sflag:s26] =	ssyncadd.s32 $0xFFFF0000  }
0xc0: {  	_ =	sfence.sel $0x180000  }
0xc1: {  	[bflag:$0x0] =	sbarrier.arrive $0xFFFF  }
0xc2: {  	_ =	strace $0x90000047  }
0xc3: {  	s0 =	stileid.u32;
	[bflag:$0x2] =	sbarrier.arrive $0xFFFF  }
0xc4: {  	p0 =	sne.s32 s0, $0x0;
	s0 =	rddreg [dreg:$0x3]  }
0xc5: {  	s0 =	sadd.s32 @!p0 $0x100000, s0  }
0xc6: {  	[sflag:s0] =	ssyncadd.tile.s32 @!p0 $0x1;
	_ =	shalt  }
.Lfunc_end2:
_tile_overlayer_lowered:
.L_overlay_start_2:
0xc7: {  	(tag) =	ssettag $0x2  }
0xc8: {  	s0 =	rddreg [dreg:$0x0];
	s2 =	stileid.u32  }
0xc9: {  	s1 =	rddreg [dreg:$0x1];
	p0 =	sne.s32 s2, $0x0  }
0xca: {  	s3 =	rddreg [dreg:$0x2];
	[bflag:$0x3] =	sbarrier.arrive $0xFFFF;
	s2 =	simm.s32 @!p0 $0x1C02  }
0xcb: {  	[timem:s3], [sflag:s2] =	dma.local @!p0 [hbm:s0], s1  }
0xcc: {  	s0 =	simm.s32 @!p0 $0x2  }
0xcd: {  	_ =	swait.ge @!p0 [sflag:s0], s1  }
0xce: {  	s1 =	ssub.s32 @!p0 $0x0, s1;
	[sflag:s0] =	ssyncset.done @!p0 $0x0  }
0xcf: {  	[sflag:s0] =	ssyncadd.s32 @!p0 s1  }
0xd0: {  	[bflag:$0x3] =	sbarrier.arrive $0xFFFF  }
0xd1: {  	_ =	shalt  }

// kernel: kernel.9.cloned.1.call-start
scs
__scs_entry_jumppad:
0x0: {  	(pc) =	sbr.rel $0x88, $3  }
0x1: {  	(tag) =	ssettag $0x0;
	lr =	simm.s32 $0x1  }
0x2: {  	[smem:$0x3F97] =	sst lr;
	_ =	strace $0xD0000000  }
0x3: {  	_ = 	snop  }
0x4: {  	_ = 	snop  }
0x5: {  	_ = 	snop  }
0x6: {  	_ = 	snop  }
0x7: {  	_ = 	snop  }
__scs_overlays_trampoline_lowered:
0x8: {  	[smem:$0x3FA6] =	sst s0  }
0x9: {  	[smem:$0x3FA7] =	sst s1  }
0xa: {  	[smem:$0x3FA8] =	sst s2  }
0xb: {  	[smem:$0x3FA9] =	sst s3  }
0xc: {  	[smem:$0x3FAA] =	sst s4  }
0xd: {  	[smem:$0x3FAB] =	sst s5  }
0xe: {  	[smem:$0x3FAC] =	sst s6  }
0xf: {  	[smem:$0x3FAD] =	sst s7  }
0x10: {  	[smem:$0x3FAE] =	sst s8  }
0x11: {  	[smem:$0x3FAF] =	sst s9;
	s0 =	simm.s32 @!p0 $0x0  }
0x12: {  	s1 =	sld [smem:$0x3F95];
	s0 =	simm.s32 @p0 $0x1  }
0x13: {  	[smem:$0x3FB0] =	sst s0;
	s0 =	simm.s32 @!p1 $0x0  }
0x14: {  	s2 =	sld [smem:$0x3F94];
	s0 =	simm.s32 @p1 $0x1  }
0x15: {  	[smem:$0x3FB1] =	sst s0;
	s0 =	simm.s32 @!p2 $0x0  }
0x16: {  	s3 =	sld [smem:$0x3FDB];
	s0 =	simm.s32 @p2 $0x1  }
0x17: {  	s4 =	simm.s32 $0x1BF5;
	[smem:$0x3FB3] =	sst s0  }
0x18: {  	s0 =	sld [smem:$0x3F96];
	_ =	swait.ge [sflag:s4], $0x0  }
0x19: {  	s7 =	sld [smem:$0x3F97]  }
0x1a: {  	s8 =	sadd.s32 $0xFFFFE003, lr  }
0x1b: {  	s9 =	sadd.s32 $0xFFFFFEF7, lr;
	s5 =	simm.s32 $0xFFFFFFFF;
	p2 =	slt.u32 s8, $0xFFFFF086  }
0x1c: {  	p1 =	slt.u32 s9, $0xF7A;
	s5 =	simm.s32 @!p2 $0x0  }
0x1d: {  	s5 =	simm.s32 @p1 $0x1;
	p0 =	seq.s32 s7, s2  }
0x1e: {  	s7 =	smul.u32 @!p0 $0xF7A, s2;
	p2 =	seq.s32 @!p0 s5, $0x0  }
0x1f: {  	s9 =	smul.u32 $0xF7A, s1;
	s8 =	simm.s32 @!p0 $0x1BF5;
	p2 =	por !p2, p0  }
0x20: {  	[sflag:s8] =	ssyncset.s32 @!p0 $0xFFFFF086;
	s6 =	sadd.s32 @!p0 s3, s7;
	s7 =	simm.s32 @!p0 $0x108  }
0x21: {  	s3 =	sadd.s32 s3, s9;
	s6 =	sadd.s32 @!p0 $0x88, s6;
	s7 =	simm.s32 @p2 $0x1082  }
0x22: {  	[simem:s7], [sflag:s8] =	dma.local @!p0 [hbm:s6], $0xF7A  }
0x23: {  	s9 =	sor.u32 $0xD0000000, s2;
	s6 =	simm.s32 $0x108;
	_ =	swait.ge @!p0 [sflag:s8], $0x0  }
0x24: {  	s3 =	sadd.s32 $0x88, s3;
	s6 =	simm.s32 @!p1 $0x1082;
	[sflag:s4] =	ssyncset.s32 $0xFFFFF086  }
0x25: {  	[simem:s6], [sflag:s4] =	dma.local [hbm:s3], $0xF7A  }
0x26: {  	[smem:$0x3F97] =	sst s1;
	(tag) =	ssettag s2;
	_ =	strace s9  }
0x27: {  	s1 =	sld [smem:$0x3FA7]  }
0x28: {  	s2 =	sld [smem:$0x3FA8]  }
0x29: {  	s4 =	sld [smem:$0x3FAA]  }
0x2a: {  	p0 =	seq.s32 s5, $0x0;
	s5 =	sld [smem:$0x3FAB]  }
0x2b: {  	s6 =	sld [smem:$0x3FAC]  }
0x2c: {  	s7 =	sld [smem:$0x3FAD]  }
0x2d: {  	s3 =	simm.s32 $0x108;
	s8 =	sld [smem:$0x3FAE]  }
0x2e: {  	s3 =	simm.s32 @!p0 $0x1082;
	s9 =	sld [smem:$0x3FAF]  }
0x2f: {  	lr =	sadd.s32 s0, s3;
	s0 =	sld [smem:$0x3FA6]  }
0x30: {  	s3 =	sld [smem:$0x3FA9]  }
0x31: {  	[smem:$0x3FB2] =	sst s10  }
0x32: {  	s10 =	sld [smem:$0x3FB0];
	_ =	sdelay $0x3  }
0x33: {  	p0 =	seq.s32 s10, $0x1;
	s10 =	sld [smem:$0x3FB2];
	_ =	sdelay $0x3  }
0x34: {  	[smem:$0x3FB2] =	sst s10  }
0x35: {  	s10 =	sld [smem:$0x3FB1];
	_ =	sdelay $0x3  }
0x36: {  	p1 =	seq.s32 s10, $0x1;
	s10 =	sld [smem:$0x3FB2];
	_ =	sdelay $0x3  }
0x37: {  	[smem:$0x3FB2] =	sst s10  }
0x38: {  	s10 =	sld [smem:$0x3FB3]  }
0x39: {  	_ = 	snop;
	(pc) =	sbr.ind lr, $3  }
0x3a: {  	_ = 	snop  }
0x3b: {  	_ = 	snop  }
0x3c: {  	p2 =	seq.s32 s10, $0x1;
	s10 =	sld [smem:$0x3FB2]  }
0x3d: {  	_ =	shalt  }
0x3e: {  	_ =	shalt  }
0x3f: {  	_ =	shalt  }
0x40: {  	_ =	shalt  }
0x41: {  	_ =	shalt  }
0x42: {  	_ =	shalt  }
0x43: {  	_ =	shalt  }
0x44: {  	_ =	shalt  }
0x45: {  	_ =	shalt  }
0x46: {  	_ =	shalt  }
0x47: {  	_ =	shalt  }
0x48: {  	_ =	shalt  }
0x49: {  	_ =	shalt  }
0x4a: {  	_ =	shalt  }
0x4b: {  	_ =	shalt  }
0x4c: {  	_ =	shalt  }
0x4d: {  	_ =	shalt  }
0x4e: {  	_ =	shalt  }
0x4f: {  	_ =	shalt  }
0x50: {  	_ =	shalt  }
0x51: {  	_ =	shalt  }
0x52: {  	_ =	shalt  }
0x53: {  	_ =	shalt  }
0x54: {  	_ =	shalt  }
0x55: {  	_ =	shalt  }
0x56: {  	_ =	shalt  }
0x57: {  	_ =	shalt  }
0x58: {  	_ =	shalt  }
0x59: {  	_ =	shalt  }
0x5a: {  	_ =	shalt  }
0x5b: {  	_ =	shalt  }
0x5c: {  	_ =	shalt  }
0x5d: {  	_ =	shalt  }
0x5e: {  	_ =	shalt  }
0x5f: {  	_ =	shalt  }
0x60: {  	_ =	shalt  }
0x61: {  	_ =	shalt  }
0x62: {  	_ =	shalt  }
0x63: {  	_ =	shalt  }
0x64: {  	_ =	shalt  }
0x65: {  	_ =	shalt  }
0x66: {  	_ =	shalt  }
0x67: {  	_ =	shalt  }
0x68: {  	_ =	shalt  }
0x69: {  	_ =	shalt  }
0x6a: {  	_ =	shalt  }
0x6b: {  	_ =	shalt  }
0x6c: {  	_ =	shalt  }
0x6d: {  	_ =	shalt  }
0x6e: {  	_ =	shalt  }
0x6f: {  	_ =	shalt  }
0x70: {  	_ =	shalt  }
0x71: {  	_ =	shalt  }
0x72: {  	_ =	shalt  }
0x73: {  	_ =	shalt  }
0x74: {  	_ =	shalt  }
0x75: {  	_ =	shalt  }
0x76: {  	_ =	shalt  }
0x77: {  	_ =	shalt  }
0x78: {  	_ =	shalt  }
0x79: {  	_ =	shalt  }
0x7a: {  	_ =	shalt  }
0x7b: {  	_ =	shalt  }
0x7c: {  	_ =	shalt  }
0x7d: {  	_ =	shalt  }
0x7e: {  	_ =	shalt  }
0x7f: {  	_ =	shalt  }
0x80: {  	_ =	shalt  }
0x81: {  	_ =	shalt  }
0x82: {  	_ =	shalt  }
0x83: {  	_ =	shalt  }
0x84: {  	_ =	shalt  }
0x85: {  	_ =	shalt  }
0x86: {  	_ =	shalt  }
0x87: {  	_ =	shalt  }
.Lfunc_end0:
.L_simem_size_0:
called_computation.1_lowered:
.L_overlay_start_0:
0x88: {  	s2 =	sld [smem:$0x3FD9]  }
0x89: {  	s3 =	sld [smem:$0x3FFE];
	_ =	sdelay $0x1  }
0x8a: {  	s1 =	srdreg.scid  }
0x8b: {  	s0 =	sand.u32 $0x1, s1  }
0x8c: {  	s17 =	sshll.u32 s0, $0xA;
	s2 =	sadd.s32 s3, s2  }
0x8d: {  	s2 =	sadd.s32 s2, s17  }
0x8e: {  	[smem:$0x3FBE] =	sst s2  }
0x8f: {  	_ = 	snop  }
0x90: {  	s2 =	sld [smem:$0x3FD0];
	(tm) =	ssettm $0x1  }
0x91: {  	s18 =	sld [smem:$0x3FFB];
	_ =	sdelay $0x3  }
0x92: {  	_ =	strace s18  }
0x93: {  	s3 =	sld [smem:$0x3FFC];
	_ =	sdelay $0x3  }
0x94: {  	_ =	strace s3  }
0x95: {  	s3 =	sld [smem:$0x3FFD];
	_ =	sdelay $0x3  }
0x96: {  	_ =	strace s3  }
0x97: {  	_ =	strace $0x8FFFFFFF  }
0x98: {  	s19 =	sld [smem:$0x3FDB];
	_ =	sdelay $0x1  }
0x99: {  	s4 =	simm.s32 $_scs_section_size  }
0x9a: {  	s5 =	simm.s32 $_size__tile_overlayer_lowered;
	s6 =	simm.s32 $_tile_overlayer_lowered  }
0x9b: {  	s22 =	simm.s32 $0x1BFF;
	s21 =	sshll.u32 s6, $0x1;
	s3 =	sadd.s32 s4, s19  }
0x9c: {  	s7 =	simm.s32 $0x0;
	s20 =	sshll.u32 s5, $0x1;
	s5 =	sadd.s32 s21, s3  }
0x9d: {  	[timem:s7], [sflag:s22] =	dma.local [hbm:s5], s20  }
0x9e: {  	_ =	swait.ge [sflag:s22], s20  }
0x9f: {  	s4 =	ssub.s32 $0x0, s20;
	[sflag:s22] =	ssyncset.done $0x0  }
0xa0: {  	[sflag:s22] =	ssyncadd.s32 s4;
	_ =	sdelay $0x1  }
0xa1: {  	s23 =	simm.s32 $0x1B8B  }
0xa2: {  	_ =	swait.ge [sflag:s23], $0x1  }
0xa3: {  	[sflag:s23] =	ssyncset.done $0x0  }
0xa4: {  	s25 =	simm.s32 $0x1B8E;
	s24 =	sld [smem:$0x3FFE];
	[sflag:s23] =	ssyncadd.s32 $0xFFFFFFFF  }
0xa5: {  	s26 =	simm.s32 $execute0_lowered;
	[smem:$0x3FD2] =	sst s25  }
0xa6: {  	s5 =	sshll.u32 s26, $0x1;
	_ =	strace $0x80000049;
	[dreg:$0x1] =	wrdreg $0xFFFFFFFF  }
0xa7: {  	s28 =	simm.s32 $_size_execute0_lowered;
	s3 =	sadd.s32 s3, s5;
	[dreg:$0x0] =	wrdreg $0x0  }
0xa8: {  	s5 =	sshll.u32 s28, $0x1;
	[dreg:$0x2] =	wrdreg s3  }
0xa9: {  	[dreg:$0x3] =	wrdreg s5  }
0xaa: {  	[dreg:$0x4] =	wrdreg $0xC0  }
0xab: {  	_ =	task [dreg:s7], $0x5FFFF  }
0xac: {  	[dreg:$0x1] =	wrdreg $0xFFFFFFFF  }
0xad: {  	[dreg:$0x0] =	wrdreg $0x60  }
0xae: {  	[dreg:$0x2] =	wrdreg s24  }
0xaf: {  	[dreg:$0x3] =	wrdreg s2  }
0xb0: {  	[dreg:$0x4] =	wrdreg $0x9  }
0xb1: {  	_ =	task.clear_ibuf [dreg:s7], $0x5FFFF;
	_ =	strace $0x90000049  }
0xb2: {  	s29 =	simm.s32 $0x9;
	_ =	strace $0x8000004B  }
0xb3: {  	_ =	swait.ge [sflag:s29], $0x1  }
0xb4: {  	[sflag:s29] =	ssyncadd.s32 $0xFFFFFFFF  }
0xb5: {  	_ =	strace $0x9000004B  }
0xb6: {  	_ =	sfence  }
0xb7: {  	s30 =	sld [smem:$0x0];
	_ =	sdelay $0x2  }
0xb8: {  	s31 =	sshll.u32 s1, $0xD;
	s1 =	sshrl.u32 s1, $0x2  }
0xb9: {  	s3 =	sand.u32 $0x4000, s31;
	s1 =	sadd.s32 s1, s30  }
0xba: {  	s0 =	sor.u32 s3, s0;
	s1 =	sshll.u32 s1, $0x11  }
0xbb: {  	s0 =	sor.u32 s1, s0  }
0xbc: {  	s0 =	sadd.s32 $0x8F2B, s0  }
0xbd: {  	[sflag:s0] =	ssyncadd.remote.s32 $0x1  }
0xbe: {  	_ =	sfence.sel $0xFFFF  }
0xbf: {  	[dreg:$0x0] =	wrdreg $0xFFFFFFFF;
	(pc) =	sbr.abs _section_cstart, $3  }
0xc0: {  	[dreg:$0x1] =	wrdreg $0xFFFFFFFF  }
0xc1: {  	_ =	task.clear_ibuf [dreg:s7], $0x2FFFF;
	_ =	strace $0x9FFFFFFF  }
0xc2: {  	(tm) =	ssettm $0x7FFFFFFF  }
0xc3: {  	_ =	shalt  }
tec
execute0_lowered:
.L_overlay_start_1:
0x0: {  	(tag) =	ssettag $0x1  }
0x1: {  	s0 =	rddreg [dreg:$0x0]  }
0x2: {  	s1 =	rddreg [dreg:$0x1];
	s2 =	simm.s32 $0x0  }
0x3: {  	s3 =	srdreg.scid;
	s5 =	stileid.u32;
	s20 =	simm.s32 $0x1  }
0x4: {  	s22 =	simm.s32 $0x880;
	s23 =	simm.s32 $0x1080;
	s24 =	simm.s32 $0x1880  }
0x5: {  	s25 =	simm.s32 $0x2080;
	s28 =	simm.s32 $0x3080;
	s29 =	simm.s32 $0x3880  }
0x6: {  	s30 =	simm.s32 $0x4080;
	s31 =	simm.s32 $0x4880;
	s18 =	simm.s32 $0x6080  }
0x7: {  	s19 =	simm.s32 $0x6880;
	s17 =	simm.s32 $0x7080;
	[smem:$0x7FF] =	sst s2  }
0x8: {  	s3 =	sand.u32 $0x1, s3;
	s5 =	sshll.u32 s5, $0x3;
	s12 =	sadd.s32 $0x2200, s0  }
0x9: {  	s7 =	sadd.s32 $0x2800, s0;
	s8 =	sadd.s32 $0x2900, s0;
	s9 =	sadd.s32 $0x2A00, s0  }
0xa: {  	_ =	strace $0x8000004A;
	s4 =	ssub.s32 $0x2, s3;
	s3 =	sshll.u32 s3, $0x7  }
0xb: {  	s6 =	sshrl.u32 s4, $0x1;
	s10 =	sor.u32 s5, s3;
	s3 =	sadd.s32 $0x2400, s0  }
0xc: {  	s5 =	sadd.s32 $0x2600, s0;
	s15 =	ssub.s32 s4, s6;
	s26 =	sadd.s32 s12, s10  }
0xd: {  	s4 =	sadd.s32 $0x2500, s0;
	s6 =	sadd.s32 $0x2700, s0;
	s11 =	smul.u32 $0xC00, s10  }
0xe: {  	s13 =	sor.u32 $0x4, s10;
	s10 =	sadd.s32 $0x2B00, s0;
	[dreg:$0x3] =	wrdreg s26  }
0xf: {  	s16 =	smul.u32 $0xC00, s13;
	s13 =	sadd.s32 s12, s13;
	s12 =	sadd.s32 $0x2D00, s0  }
0x10: {  	s15 =	smax.u32 s15, $0x1;
	s26 =	simm.s32 $0x2880;
	s14 =	sadd.s32 s1, s11  }
0x11: {  	v2 =	vlaneseq.u32;
	s11 =	sadd.s32 $0x2C00, s0;
	[dreg:$0x5] =	wrdreg s13;
	s13 =	sadd.s32 $0x2E00, s0  }
0x12: {  	vm0 =	vmmov $0xffff;
	v1 =	vshrl.u32 v2, $0x3;
	[dreg:$0x4] =	wrdreg s14;
	s1 =	sadd.s32 s1, s16;
	s14 =	sadd.s32 $0x2F00, s0  }
0x13: {  	v0 =	vand.u32 $0x7, v2;
	v2 =	vor.u32 $0x8, v2;
	v1 =	vmul.u32 $0x8, v1;
	s16 =	simm.s32 $0x2;
	s0 =	simm.s32 $0x80;
	[dreg:$0x6] =	wrdreg s1  }
.LBB2_1:
0x14: {  	s21 =	rddreg [dreg:$0x3]  }
0x15: {  	[tilespmem:s2], [sflag:$0x2] =	stream.linear.gather [hbm4b:s21+s2], $0x20, $0x38;
	[tilespmem:$0x18080] =	vst v63  }
0x16: {  	_ =	swait.ge [sflag:s16], $0x20  }
0x17: {  	[sflag:s16] =	ssyncset.done $0x0  }
0x18: {  	[sflag:s16] =	ssyncadd.s32 $0xFFFFFFE0  }
0x19: {  	v3 =	vld [tilespmem:$0x0];
	_ =	sdelay $0x4  }
0x1a: {  	v4 =	vshrl.u32 v3, $0x3  }
0x1b: {  	v4 =	vmul.u32 $0xC0, v4  }
0x1c: {  	v3 =	vand.u32 $0x7, v3  }
0x1d: {  	v3 =	vor.u32 v3, v4  }
0x1e: {  	v4 =	vperm.xlane v3, v0;
	_ =	sdelay $0x1  }
0x1f: {  	v4 =	vadd.s32 v1, v4;
	_ =	sdelay $0x4  }
0x20: {  	[tilespmem:s0], [sflag:$0x1] =	stream.indirect_vreg.gather [hbm4b:s3+s2], $0x80, v4, vm0, $0xb8;
	[tilespmem:$0x18080] =	vst v63  }
0x21: {  	_ = 	snop  }
0x22: {  	[tilespmem:s22], [sflag:$0x1] =	stream.indirect_vreg.gather [hbm4b:s4+s2], $0x80, v4, vm0, $0xb8;
	[tilespmem:$0x18080] =	vst v63  }
0x23: {  	_ = 	snop  }
0x24: {  	[tilespmem:s23], [sflag:$0x1] =	stream.indirect_vreg.gather [hbm4b:s5+s2], $0x80, v4, vm0, $0xb8;
	[tilespmem:$0x18080] =	vst v63  }
0x25: {  	_ = 	snop  }
0x26: {  	[tilespmem:s24], [sflag:$0x1] =	stream.indirect_vreg.gather [hbm4b:s6+s2], $0x80, v4, vm0, $0xb8;
	[tilespmem:$0x18080] =	vst v63  }
0x27: {  	_ = 	snop  }
0x28: {  	[tilespmem:s25], [sflag:$0x1] =	stream.indirect_vreg.gather [hbm4b:s7+s2], $0x80, v4, vm0, $0xb8;
	[tilespmem:$0x18080] =	vst v63  }
0x29: {  	_ = 	snop  }
0x2a: {  	[tilespmem:s26], [sflag:$0x1] =	stream.indirect_vreg.gather [hbm4b:s8+s2], $0x80, v4, vm0, $0xb8;
	[tilespmem:$0x18080] =	vst v63  }
0x2b: {  	_ = 	snop  }
0x2c: {  	[tilespmem:s28], [sflag:$0x1] =	stream.indirect_vreg.gather [hbm4b:s9+s2], $0x80, v4, vm0, $0xb8;
	[tilespmem:$0x18080] =	vst v63  }
0x2d: {  	_ = 	snop  }
0x2e: {  	[tilespmem:s29], [sflag:$0x1] =	stream.indirect_vreg.gather [hbm4b:s10+s2], $0x80, v4, vm0, $0xb8;
	[tilespmem:$0x18080] =	vst v63  }
0x2f: {  	_ = 	snop  }
0x30: {  	[tilespmem:s30], [sflag:$0x1] =	stream.indirect_vreg.gather [hbm4b:s11+s2], $0x80, v4, vm0, $0xb8;
	[tilespmem:$0x18080] =	vst v63  }
0x31: {  	v3 =	vperm.xlane v3, v2  }
0x32: {  	[tilespmem:s31], [sflag:$0x1] =	stream.indirect_vreg.gather [hbm4b:s12+s2], $0x80, v4, vm0, $0xb8;
	[tilespmem:$0x18080] =	vst v63  }
0x33: {  	s1 =	simm.s32 $0x5080;
	v3 =	vadd.s32 v1, v3  }
0x34: {  	[tilespmem:s1], [sflag:$0x1] =	stream.indirect_vreg.gather [hbm4b:s13+s2], $0x80, v4, vm0, $0xb8;
	[tilespmem:$0x18080] =	vst v63  }
0x35: {  	s1 =	simm.s32 $0x5880  }
0x36: {  	[tilespmem:s1], [sflag:$0x1] =	stream.indirect_vreg.gather [hbm4b:s14+s2], $0x80, v4, vm0, $0xb8;
	[tilespmem:$0x18080] =	vst v63  }
0x37: {  	_ = 	snop  }
0x38: {  	[tilespmem:s18], [sflag:$0x1] =	stream.indirect_vreg.gather [hbm4b:s3+s2], $0x80, v3, vm0, $0xb8;
	[tilespmem:$0x18080] =	vst v63  }
0x39: {  	_ = 	snop  }
0x3a: {  	[tilespmem:s19], [sflag:$0x1] =	stream.indirect_vreg.gather [hbm4b:s4+s2], $0x80, v3, vm0, $0xb8;
	[tilespmem:$0x18080] =	vst v63  }
0x3b: {  	_ = 	snop  }
0x3c: {  	[tilespmem:s17], [sflag:$0x1] =	stream.indirect_vreg.gather [hbm4b:s5+s2], $0x80, v3, vm0, $0xb8;
	[tilespmem:$0x18080] =	vst v63  }
0x3d: {  	s21 =	simm.s32 $0x7880  }
0x3e: {  	[tilespmem:s21], [sflag:$0x1] =	stream.indirect_vreg.gather [hbm4b:s6+s2], $0x80, v3, vm0, $0xb8;
	[tilespmem:$0x18080] =	vst v63  }
0x3f: {  	s21 =	simm.s32 $0x8080  }
0x40: {  	[tilespmem:s21], [sflag:$0x1] =	stream.indirect_vreg.gather [hbm4b:s7+s2], $0x80, v3, vm0, $0xb8;
	[tilespmem:$0x18080] =	vst v63  }
0x41: {  	s21 =	simm.s32 $0x8880  }
0x42: {  	[tilespmem:s21], [sflag:$0x1] =	stream.indirect_vreg.gather [hbm4b:s8+s2], $0x80, v3, vm0, $0xb8;
	[tilespmem:$0x18080] =	vst v63  }
0x43: {  	s21 =	simm.s32 $0x9080  }
0x44: {  	[tilespmem:s21], [sflag:$0x1] =	stream.indirect_vreg.gather [hbm4b:s9+s2], $0x80, v3, vm0, $0xb8;
	[tilespmem:$0x18080] =	vst v63  }
0x45: {  	s21 =	simm.s32 $0x9880  }
0x46: {  	[tilespmem:s21], [sflag:$0x1] =	stream.indirect_vreg.gather [hbm4b:s10+s2], $0x80, v3, vm0, $0xb8;
	[tilespmem:$0x18080] =	vst v63  }
0x47: {  	s21 =	simm.s32 $0xA080  }
0x48: {  	[tilespmem:s21], [sflag:$0x1] =	stream.indirect_vreg.gather [hbm4b:s11+s2], $0x80, v3, vm0, $0xb8;
	[tilespmem:$0x18080] =	vst v63  }
0x49: {  	s21 =	simm.s32 $0xA880  }
0x4a: {  	[tilespmem:s21], [sflag:$0x1] =	stream.indirect_vreg.gather [hbm4b:s12+s2], $0x80, v3, vm0, $0xb8;
	[tilespmem:$0x18080] =	vst v63  }
0x4b: {  	s21 =	simm.s32 $0xB080  }
0x4c: {  	[tilespmem:s21], [sflag:$0x1] =	stream.indirect_vreg.gather [hbm4b:s13+s2], $0x80, v3, vm0, $0xb8;
	[tilespmem:$0x18080] =	vst v63  }
0x4d: {  	s21 =	simm.s32 $0xB880  }
0x4e: {  	[tilespmem:s21], [sflag:$0x1] =	stream.indirect_vreg.gather [hbm4b:s14+s2], $0x80, v3, vm0, $0xb8;
	[tilespmem:$0x18080] =	vst v63  }
0x4f: {  	v3 =	vld [tilespmem:$0x10];
	_ =	sdelay $0x4  }
0x50: {  	v61 =	vshrl.u32 v3, $0x3  }
0x51: {  	v4 =	vmul.u32 $0xC0, v61  }
0x52: {  	v3 =	vand.u32 $0x7, v3  }
0x53: {  	v3 =	vor.u32 v3, v4  }
0x54: {  	v4 =	vperm.xlane v3, v0;
	_ =	sdelay $0x1  }
0x55: {  	v4 =	vadd.s32 v1, v4;
	_ =	sdelay $0x3  }
0x56: {  	s21 =	simm.s32 $0xC080  }
0x57: {  	[tilespmem:s21], [sflag:$0x1] =	stream.indirect_vreg.gather [hbm4b:s3+s2], $0x80, v4, vm0, $0xb8;
	[tilespmem:$0x18080] =	vst v63  }
0x58: {  	s21 =	simm.s32 $0xC880  }
0x59: {  	[tilespmem:s21], [sflag:$0x1] =	stream.indirect_vreg.gather [hbm4b:s4+s2], $0x80, v4, vm0, $0xb8;
	[tilespmem:$0x18080] =	vst v63  }
0x5a: {  	s21 =	simm.s32 $0xD080  }
0x5b: {  	[tilespmem:s21], [sflag:$0x1] =	stream.indirect_vreg.gather [hbm4b:s5+s2], $0x80, v4, vm0, $0xb8;
	[tilespmem:$0x18080] =	vst v63  }
0x5c: {  	s21 =	simm.s32 $0xD880  }
0x5d: {  	[tilespmem:s21], [sflag:$0x1] =	stream.indirect_vreg.gather [hbm4b:s6+s2], $0x80, v4, vm0, $0xb8;
	[tilespmem:$0x18080] =	vst v63  }
0x5e: {  	s21 =	simm.s32 $0xE080  }
0x5f: {  	[tilespmem:s21], [sflag:$0x1] =	stream.indirect_vreg.gather [hbm4b:s7+s2], $0x80, v4, vm0, $0xb8;
	[tilespmem:$0x18080] =	vst v63  }
0x60: {  	s21 =	simm.s32 $0xE880  }
0x61: {  	[tilespmem:s21], [sflag:$0x1] =	stream.indirect_vreg.gather [hbm4b:s8+s2], $0x80, v4, vm0, $0xb8;
	[tilespmem:$0x18080] =	vst v63  }
0x62: {  	s21 =	simm.s32 $0xF080  }
0x63: {  	[tilespmem:s21], [sflag:$0x1] =	stream.indirect_vreg.gather [hbm4b:s9+s2], $0x80, v4, vm0, $0xb8;
	[tilespmem:$0x18080] =	vst v63  }
0x64: {  	s21 =	simm.s32 $0xF880  }
0x65: {  	[tilespmem:s21], [sflag:$0x1] =	stream.indirect_vreg.gather [hbm4b:s10+s2], $0x80, v4, vm0, $0xb8;
	[tilespmem:$0x18080] =	vst v63  }
0x66: {  	s21 =	simm.s32 $0x10080  }
0x67: {  	[tilespmem:s21], [sflag:$0x1] =	stream.indirect_vreg.gather [hbm4b:s11+s2], $0x80, v4, vm0, $0xb8;
	[tilespmem:$0x18080] =	vst v63  }
0x68: {  	v3 =	vperm.xlane v3, v2;
	s21 =	simm.s32 $0x10880  }
0x69: {  	[tilespmem:s21], [sflag:$0x1] =	stream.indirect_vreg.gather [hbm4b:s12+s2], $0x80, v4, vm0, $0xb8;
	[tilespmem:$0x18080] =	vst v63  }
0x6a: {  	v3 =	vadd.s32 v1, v3;
	s21 =	simm.s32 $0x11080  }
0x6b: {  	[tilespmem:s21], [sflag:$0x1] =	stream.indirect_vreg.gather [hbm4b:s13+s2], $0x80, v4, vm0, $0xb8;
	[tilespmem:$0x18080] =	vst v63  }
0x6c: {  	s21 =	simm.s32 $0x11880  }
0x6d: {  	[tilespmem:s21], [sflag:$0x1] =	stream.indirect_vreg.gather [hbm4b:s14+s2], $0x80, v4, vm0, $0xb8;
	[tilespmem:$0x18080] =	vst v63  }
0x6e: {  	s21 =	simm.s32 $0x12080  }
0x6f: {  	[tilespmem:s21], [sflag:$0x1] =	stream.indirect_vreg.gather [hbm4b:s3+s2], $0x80, v3, vm0, $0xb8;
	[tilespmem:$0x18080] =	vst v63  }
0x70: {  	s21 =	simm.s32 $0x12880  }
0x71: {  	[tilespmem:s21], [sflag:$0x1] =	stream.indirect_vreg.gather [hbm4b:s4+s2], $0x80, v3, vm0, $0xb8;
	[tilespmem:$0x18080] =	vst v63  }
0x72: {  	s21 =	simm.s32 $0x13080  }
0x73: {  	[tilespmem:s21], [sflag:$0x1] =	stream.indirect_vreg.gather [hbm4b:s5+s2], $0x80, v3, vm0, $0xb8;
	[tilespmem:$0x18080] =	vst v63  }
0x74: {  	s21 =	simm.s32 $0x13880  }
0x75: {  	[tilespmem:s21], [sflag:$0x1] =	stream.indirect_vreg.gather [hbm4b:s6+s2], $0x80, v3, vm0, $0xb8;
	[tilespmem:$0x18080] =	vst v63  }
0x76: {  	s21 =	simm.s32 $0x14080  }
0x77: {  	[tilespmem:s21], [sflag:$0x1] =	stream.indirect_vreg.gather [hbm4b:s7+s2], $0x80, v3, vm0, $0xb8;
	[tilespmem:$0x18080] =	vst v63  }
0x78: {  	s21 =	simm.s32 $0x14880  }
0x79: {  	[tilespmem:s21], [sflag:$0x1] =	stream.indirect_vreg.gather [hbm4b:s8+s2], $0x80, v3, vm0, $0xb8;
	[tilespmem:$0x18080] =	vst v63  }
0x7a: {  	s21 =	simm.s32 $0x15080  }
0x7b: {  	[tilespmem:s21], [sflag:$0x1] =	stream.indirect_vreg.gather [hbm4b:s9+s2], $0x80, v3, vm0, $0xb8;
	[tilespmem:$0x18080] =	vst v63  }
0x7c: {  	s21 =	simm.s32 $0x15880  }
0x7d: {  	[tilespmem:s21], [sflag:$0x1] =	stream.indirect_vreg.gather [hbm4b:s10+s2], $0x80, v3, vm0, $0xb8;
	[tilespmem:$0x18080] =	vst v63  }
0x7e: {  	s21 =	simm.s32 $0x16080  }
0x7f: {  	[tilespmem:s21], [sflag:$0x1] =	stream.indirect_vreg.gather [hbm4b:s11+s2], $0x80, v3, vm0, $0xb8;
	[tilespmem:$0x18080] =	vst v63  }
0x80: {  	s21 =	simm.s32 $0x16880  }
0x81: {  	[tilespmem:s21], [sflag:$0x1] =	stream.indirect_vreg.gather [hbm4b:s12+s2], $0x80, v3, vm0, $0xb8;
	[tilespmem:$0x18080] =	vst v63  }
0x82: {  	s21 =	simm.s32 $0x17080  }
0x83: {  	[tilespmem:s21], [sflag:$0x1] =	stream.indirect_vreg.gather [hbm4b:s13+s2], $0x80, v3, vm0, $0xb8;
	[tilespmem:$0x18080] =	vst v63  }
0x84: {  	s21 =	simm.s32 $0x17880  }
0x85: {  	[tilespmem:s21], [sflag:$0x1] =	stream.indirect_vreg.gather [hbm4b:s14+s2], $0x80, v3, vm0, $0xb8;
	[tilespmem:$0x18080] =	vst v63  }
0x86: {  	_ =	swait.ge [sflag:s20], $0x18000  }
0x87: {  	[sflag:s20] =	ssyncset.done $0x0  }
0x88: {  	s21 =	rddreg [dreg:$0x4];
	[sflag:s20] =	ssyncadd.s32 $0xFFFE8000  }
0x89: {  	[hbm4b:s21+s2] =	stream.linear.scatter [tilespmem:s0], [sflag:$0x2], $0x18000, $0x38;
	[tilespmem:$0x18080] =	vst v63  }
0x8a: {  	_ =	swait.ge [sflag:s16], $0x18000  }
0x8b: {  	[sflag:s16] =	ssyncset.done $0x0  }
0x8c: {  	s21 =	rddreg [dreg:$0x5];
	[sflag:s16] =	ssyncadd.s32 $0xFFFE8000  }
0x8d: {  	[tilespmem:s2], [sflag:$0x2] =	stream.linear.gather [hbm4b:s21+s2], $0x20, $0x38;
	[tilespmem:$0x18080] =	vst v63  }
0x8e: {  	_ =	swait.ge [sflag:s16], $0x20  }
0x8f: {  	[sflag:s16] =	ssyncset.done $0x0  }
0x90: {  	[sflag:s16] =	ssyncadd.s32 $0xFFFFFFE0  }
0x91: {  	v3 =	vld [tilespmem:$0x0];
	_ =	sdelay $0x4  }
0x92: {  	v62 =	vshrl.u32 v3, $0x3  }
0x93: {  	v4 =	vmul.u32 $0xC0, v62  }
0x94: {  	v3 =	vand.u32 $0x7, v3  }
0x95: {  	v3 =	vor.u32 v3, v4  }
0x96: {  	v4 =	vperm.xlane v3, v0;
	_ =	sdelay $0x1  }
0x97: {  	v4 =	vadd.s32 v1, v4;
	_ =	sdelay $0x4  }
0x98: {  	[tilespmem:s0], [sflag:$0x1] =	stream.indirect_vreg.gather [hbm4b:s3+s2], $0x80, v4, vm0, $0xb8;
	[tilespmem:$0x18080] =	vst v63  }
0x99: {  	_ = 	snop  }
0x9a: {  	[tilespmem:s22], [sflag:$0x1] =	stream.indirect_vreg.gather [hbm4b:s4+s2], $0x80, v4, vm0, $0xb8;
	[tilespmem:$0x18080] =	vst v63  }
0x9b: {  	_ = 	snop  }
0x9c: {  	[tilespmem:s23], [sflag:$0x1] =	stream.indirect_vreg.gather [hbm4b:s5+s2], $0x80, v4, vm0, $0xb8;
	[tilespmem:$0x18080] =	vst v63  }
0x9d: {  	_ = 	snop  }
0x9e: {  	[tilespmem:s24], [sflag:$0x1] =	stream.indirect_vreg.gather [hbm4b:s6+s2], $0x80, v4, vm0, $0xb8;
	[tilespmem:$0x18080] =	vst v63  }
0x9f: {  	_ = 	snop  }
0xa0: {  	[tilespmem:s25], [sflag:$0x1] =	stream.indirect_vreg.gather [hbm4b:s7+s2], $0x80, v4, vm0, $0xb8;
	[tilespmem:$0x18080] =	vst v63  }
0xa1: {  	_ = 	snop  }
0xa2: {  	[tilespmem:s26], [sflag:$0x1] =	stream.indirect_vreg.gather [hbm4b:s8+s2], $0x80, v4, vm0, $0xb8;
	[tilespmem:$0x18080] =	vst v63  }
0xa3: {  	_ = 	snop  }
0xa4: {  	[tilespmem:s28], [sflag:$0x1] =	stream.indirect_vreg.gather [hbm4b:s9+s2], $0x80, v4, vm0, $0xb8;
	[tilespmem:$0x18080] =	vst v63  }
0xa5: {  	_ = 	snop  }
0xa6: {  	[tilespmem:s29], [sflag:$0x1] =	stream.indirect_vreg.gather [hbm4b:s10+s2], $0x80, v4, vm0, $0xb8;
	[tilespmem:$0x18080] =	vst v63  }
0xa7: {  	_ = 	snop  }
0xa8: {  	[tilespmem:s30], [sflag:$0x1] =	stream.indirect_vreg.gather [hbm4b:s11+s2], $0x80, v4, vm0, $0xb8;
	[tilespmem:$0x18080] =	vst v63  }
0xa9: {  	v3 =	vperm.xlane v3, v2  }
0xaa: {  	[tilespmem:s31], [sflag:$0x1] =	stream.indirect_vreg.gather [hbm4b:s12+s2], $0x80, v4, vm0, $0xb8;
	[tilespmem:$0x18080] =	vst v63  }
0xab: {  	s21 =	simm.s32 $0x5080;
	v3 =	vadd.s32 v1, v3  }
0xac: {  	[tilespmem:s21], [sflag:$0x1] =	stream.indirect_vreg.gather [hbm4b:s13+s2], $0x80, v4, vm0, $0xb8;
	[tilespmem:$0x18080] =	vst v63  }
0xad: {  	_ = 	snop  }
0xae: {  	[tilespmem:s1], [sflag:$0x1] =	stream.indirect_vreg.gather [hbm4b:s14+s2], $0x80, v4, vm0, $0xb8;
	[tilespmem:$0x18080] =	vst v63  }
0xaf: {  	_ = 	snop  }
0xb0: {  	[tilespmem:s18], [sflag:$0x1] =	stream.indirect_vreg.gather [hbm4b:s3+s2], $0x80, v3, vm0, $0xb8;
	[tilespmem:$0x18080] =	vst v63  }
0xb1: {  	_ = 	snop  }
0xb2: {  	[tilespmem:s19], [sflag:$0x1] =	stream.indirect_vreg.gather [hbm4b:s4+s2], $0x80, v3, vm0, $0xb8;
	[tilespmem:$0x18080] =	vst v63  }
0xb3: {  	_ = 	snop  }
0xb4: {  	[tilespmem:s17], [sflag:$0x1] =	stream.indirect_vreg.gather [hbm4b:s5+s2], $0x80, v3, vm0, $0xb8;
	[tilespmem:$0x18080] =	vst v63  }
0xb5: {  	s21 =	simm.s32 $0x7880  }
0xb6: {  	[tilespmem:s21], [sflag:$0x1] =	stream.indirect_vreg.gather [hbm4b:s6+s2], $0x80, v3, vm0, $0xb8;
	[tilespmem:$0x18080] =	vst v63  }
0xb7: {  	s21 =	simm.s32 $0x8080  }
0xb8: {  	[tilespmem:s21], [sflag:$0x1] =	stream.indirect_vreg.gather [hbm4b:s7+s2], $0x80, v3, vm0, $0xb8;
	[tilespmem:$0x18080] =	vst v63  }
0xb9: {  	s21 =	simm.s32 $0x8880  }
0xba: {  	[tilespmem:s21], [sflag:$0x1] =	stream.indirect_vreg.gather [hbm4b:s8+s2], $0x80, v3, vm0, $0xb8;
	[tilespmem:$0x18080] =	vst v63  }
0xbb: {  	s21 =	simm.s32 $0x9080  }
0xbc: {  	[tilespmem:s21], [sflag:$0x1] =	stream.indirect_vreg.gather [hbm4b:s9+s2], $0x80, v3, vm0, $0xb8;
	[tilespmem:$0x18080] =	vst v63  }
0xbd: {  	s21 =	simm.s32 $0x9880  }
0xbe: {  	[tilespmem:s21], [sflag:$0x1] =	stream.indirect_vreg.gather [hbm4b:s10+s2], $0x80, v3, vm0, $0xb8;
	[tilespmem:$0x18080] =	vst v63  }
0xbf: {  	s21 =	simm.s32 $0xA080  }
0xc0: {  	[tilespmem:s21], [sflag:$0x1] =	stream.indirect_vreg.gather [hbm4b:s11+s2], $0x80, v3, vm0, $0xb8;
	[tilespmem:$0x18080] =	vst v63  }
0xc1: {  	s21 =	simm.s32 $0xA880  }
0xc2: {  	[tilespmem:s21], [sflag:$0x1] =	stream.indirect_vreg.gather [hbm4b:s12+s2], $0x80, v3, vm0, $0xb8;
	[tilespmem:$0x18080] =	vst v63  }
0xc3: {  	s21 =	simm.s32 $0xB080  }
0xc4: {  	[tilespmem:s21], [sflag:$0x1] =	stream.indirect_vreg.gather [hbm4b:s13+s2], $0x80, v3, vm0, $0xb8;
	[tilespmem:$0x18080] =	vst v63  }
0xc5: {  	s21 =	simm.s32 $0xB880  }
0xc6: {  	[tilespmem:s21], [sflag:$0x1] =	stream.indirect_vreg.gather [hbm4b:s14+s2], $0x80, v3, vm0, $0xb8;
	[tilespmem:$0x18080] =	vst v63  }
0xc7: {  	v3 =	vld [tilespmem:$0x10];
	_ =	sdelay $0x4  }
0xc8: {  	v63 =	vshrl.u32 v3, $0x3  }
0xc9: {  	v4 =	vmul.u32 $0xC0, v63  }
0xca: {  	v3 =	vand.u32 $0x7, v3  }
0xcb: {  	v3 =	vor.u32 v3, v4  }
0xcc: {  	v4 =	vperm.xlane v3, v0;
	_ =	sdelay $0x1  }
0xcd: {  	v4 =	vadd.s32 v1, v4;
	_ =	sdelay $0x3  }
0xce: {  	s21 =	simm.s32 $0xC080  }
0xcf: {  	[tilespmem:s21], [sflag:$0x1] =	stream.indirect_vreg.gather [hbm4b:s3+s2], $0x80, v4, vm0, $0xb8;
	[tilespmem:$0x18080] =	vst v63  }
0xd0: {  	s21 =	simm.s32 $0xC880  }
0xd1: {  	[tilespmem:s21], [sflag:$0x1] =	stream.indirect_vreg.gather [hbm4b:s4+s2], $0x80, v4, vm0, $0xb8;
	[tilespmem:$0x18080] =	vst v63  }
0xd2: {  	s21 =	simm.s32 $0xD080  }
0xd3: {  	[tilespmem:s21], [sflag:$0x1] =	stream.indirect_vreg.gather [hbm4b:s5+s2], $0x80, v4, vm0, $0xb8;
	[tilespmem:$0x18080] =	vst v63  }
0xd4: {  	s21 =	simm.s32 $0xD880  }
0xd5: {  	[tilespmem:s21], [sflag:$0x1] =	stream.indirect_vreg.gather [hbm4b:s6+s2], $0x80, v4, vm0, $0xb8;
	[tilespmem:$0x18080] =	vst v63  }
0xd6: {  	s21 =	simm.s32 $0xE080  }
0xd7: {  	[tilespmem:s21], [sflag:$0x1] =	stream.indirect_vreg.gather [hbm4b:s7+s2], $0x80, v4, vm0, $0xb8;
	[tilespmem:$0x18080] =	vst v63  }
0xd8: {  	s21 =	simm.s32 $0xE880  }
0xd9: {  	[tilespmem:s21], [sflag:$0x1] =	stream.indirect_vreg.gather [hbm4b:s8+s2], $0x80, v4, vm0, $0xb8;
	[tilespmem:$0x18080] =	vst v63  }
0xda: {  	s21 =	simm.s32 $0xF080  }
0xdb: {  	[tilespmem:s21], [sflag:$0x1] =	stream.indirect_vreg.gather [hbm4b:s9+s2], $0x80, v4, vm0, $0xb8;
	[tilespmem:$0x18080] =	vst v63  }
0xdc: {  	s21 =	simm.s32 $0xF880  }
0xdd: {  	[tilespmem:s21], [sflag:$0x1] =	stream.indirect_vreg.gather [hbm4b:s10+s2], $0x80, v4, vm0, $0xb8;
	[tilespmem:$0x18080] =	vst v63  }
0xde: {  	s21 =	simm.s32 $0x10080  }
0xdf: {  	[tilespmem:s21], [sflag:$0x1] =	stream.indirect_vreg.gather [hbm4b:s11+s2], $0x80, v4, vm0, $0xb8;
	[tilespmem:$0x18080] =	vst v63  }
0xe0: {  	v3 =	vperm.xlane v3, v2;
	s21 =	simm.s32 $0x10880  }
0xe1: {  	[tilespmem:s21], [sflag:$0x1] =	stream.indirect_vreg.gather [hbm4b:s12+s2], $0x80, v4, vm0, $0xb8;
	[tilespmem:$0x18080] =	vst v63  }
0xe2: {  	v3 =	vadd.s32 v1, v3;
	s21 =	simm.s32 $0x11080  }
0xe3: {  	[tilespmem:s21], [sflag:$0x1] =	stream.indirect_vreg.gather [hbm4b:s13+s2], $0x80, v4, vm0, $0xb8;
	[tilespmem:$0x18080] =	vst v63  }
0xe4: {  	s21 =	simm.s32 $0x11880  }
0xe5: {  	[tilespmem:s21], [sflag:$0x1] =	stream.indirect_vreg.gather [hbm4b:s14+s2], $0x80, v4, vm0, $0xb8;
	[tilespmem:$0x18080] =	vst v63  }
0xe6: {  	s21 =	simm.s32 $0x12080  }
0xe7: {  	[tilespmem:s21], [sflag:$0x1] =	stream.indirect_vreg.gather [hbm4b:s3+s2], $0x80, v3, vm0, $0xb8;
	[tilespmem:$0x18080] =	vst v63  }
0xe8: {  	s21 =	simm.s32 $0x12880  }
0xe9: {  	[tilespmem:s21], [sflag:$0x1] =	stream.indirect_vreg.gather [hbm4b:s4+s2], $0x80, v3, vm0, $0xb8;
	[tilespmem:$0x18080] =	vst v63  }
0xea: {  	s21 =	simm.s32 $0x13080  }
0xeb: {  	[tilespmem:s21], [sflag:$0x1] =	stream.indirect_vreg.gather [hbm4b:s5+s2], $0x80, v3, vm0, $0xb8;
	[tilespmem:$0x18080] =	vst v63  }
0xec: {  	s21 =	simm.s32 $0x13880  }
0xed: {  	[tilespmem:s21], [sflag:$0x1] =	stream.indirect_vreg.gather [hbm4b:s6+s2], $0x80, v3, vm0, $0xb8;
	[tilespmem:$0x18080] =	vst v63  }
0xee: {  	s21 =	simm.s32 $0x14080  }
0xef: {  	[tilespmem:s21], [sflag:$0x1] =	stream.indirect_vreg.gather [hbm4b:s7+s2], $0x80, v3, vm0, $0xb8;
	[tilespmem:$0x18080] =	vst v63  }
0xf0: {  	s21 =	simm.s32 $0x14880  }
0xf1: {  	[tilespmem:s21], [sflag:$0x1] =	stream.indirect_vreg.gather [hbm4b:s8+s2], $0x80, v3, vm0, $0xb8;
	[tilespmem:$0x18080] =	vst v63  }
0xf2: {  	s21 =	simm.s32 $0x15080  }
0xf3: {  	[tilespmem:s21], [sflag:$0x1] =	stream.indirect_vreg.gather [hbm4b:s9+s2], $0x80, v3, vm0, $0xb8;
	[tilespmem:$0x18080] =	vst v63  }
0xf4: {  	s21 =	simm.s32 $0x15880  }
0xf5: {  	[tilespmem:s21], [sflag:$0x1] =	stream.indirect_vreg.gather [hbm4b:s10+s2], $0x80, v3, vm0, $0xb8;
	[tilespmem:$0x18080] =	vst v63  }
0xf6: {  	s21 =	simm.s32 $0x16080  }
0xf7: {  	[tilespmem:s21], [sflag:$0x1] =	stream.indirect_vreg.gather [hbm4b:s11+s2], $0x80, v3, vm0, $0xb8;
	[tilespmem:$0x18080] =	vst v63  }
0xf8: {  	s21 =	simm.s32 $0x16880  }
0xf9: {  	[tilespmem:s21], [sflag:$0x1] =	stream.indirect_vreg.gather [hbm4b:s12+s2], $0x80, v3, vm0, $0xb8;
	[tilespmem:$0x18080] =	vst v63  }
0xfa: {  	s21 =	simm.s32 $0x17080  }
0xfb: {  	[tilespmem:s21], [sflag:$0x1] =	stream.indirect_vreg.gather [hbm4b:s13+s2], $0x80, v3, vm0, $0xb8;
	[tilespmem:$0x18080] =	vst v63  }
0xfc: {  	s21 =	simm.s32 $0x17880  }
0xfd: {  	[tilespmem:s21], [sflag:$0x1] =	stream.indirect_vreg.gather [hbm4b:s14+s2], $0x80, v3, vm0, $0xb8;
	[tilespmem:$0x18080] =	vst v63  }
0xfe: {  	_ =	swait.ge [sflag:s20], $0x18000  }
0xff: {  	p0 =	sne.s32 s15, $0x1;
	[sflag:s20] =	ssyncset.done $0x0  }
.Ltmp0:
0x100: {  	s1 =	rddreg [dreg:$0x6];
	[sflag:s20] =	ssyncadd.s32 $0xFFFE8000;
	(pc) =	sbr.rel @p0 .LBB2_1-.Ltmp0, $4  }
0x101: {  	[hbm4b:s1+s2] =	stream.linear.scatter [tilespmem:s0], [sflag:$0x2], $0x18000, $0x38;
	[tilespmem:$0x18080] =	vst v63  }
0x102: {  	_ =	swait.ge [sflag:s16], $0x18000  }
0x103: {  	[sflag:s16] =	ssyncset.done $0x0  }
0x104: {  	s15 =	sadd.s32 $0xFFFFFFFF, s15;
	[sflag:s16] =	ssyncadd.s32 $0xFFFE8000  }
0x105: {  	_ =	sfence.sel $0x180000  }
0x106: {  	[bflag:$0x0] =	sbarrier.arrive $0xFFFF  }
0x107: {  	_ =	strace $0x9000004A  }
0x108: {  	s0 =	stileid.u32;
	[bflag:$0x2] =	sbarrier.arrive $0xFFFF  }
0x109: {  	p0 =	sne.s32 s0, $0x0;
	s0 =	rddreg [dreg:$0x2]  }
0x10a: {  	s0 =	sadd.s32 @!p0 $0x100000, s0  }
0x10b: {  	[sflag:s0] =	ssyncadd.tile.s32 @!p0 $0x1;
	_ =	shalt  }
.Lfunc_end2:
_tile_overlayer_lowered:
.L_overlay_start_2:
0x10c: {  	(tag) =	ssettag $0x2  }
0x10d: {  	s0 =	rddreg [dreg:$0x0];
	s2 =	stileid.u32  }
0x10e: {  	s1 =	rddreg [dreg:$0x1];
	p0 =	sne.s32 s2, $0x0  }
0x10f: {  	s3 =	rddreg [dreg:$0x2];
	[bflag:$0x3] =	sbarrier.arrive $0xFFFF;
	s2 =	simm.s32 @!p0 $0x1C02  }
0x110: {  	[timem:s3], [sflag:s2] =	dma.local @!p0 [hbm:s0], s1  }
0x111: {  	s0 =	simm.s32 @!p0 $0x2  }
0x112: {  	_ =	swait.ge @!p0 [sflag:s0], s1  }
0x113: {  	s1 =	ssub.s32 @!p0 $0x0, s1;
	[sflag:s0] =	ssyncset.done @!p0 $0x0  }
0x114: {  	[sflag:s0] =	ssyncadd.s32 @!p0 s1  }
0x115: {  	[bflag:$0x3] =	sbarrier.arrive $0xFFFF  }
0x116: {  	_ =	shalt  }

</sc_bundles>
